<compile_context>
chip_gen: v7x
topology: tpu7x:2x2x1
jax: 0.10.2.dev20260603
libtpu: 0.0.44.dev20260713+nightly
codegen_flags: <defaults>
</compile_context>

<pallas_src>
import math

import jax
import jax.numpy as jnp
from jax.experimental import pallas as pl

_M, _K, _D = 8, 256, 32
_HW = 256
_EPS = 1e-05
_C = 0.5 * math.log(2.0 * math.pi)
_DELTA = 1.2e-4
_S = 128
_NEG = -1e30


def _stage1_body(x_ref, mus_ref, musbf_ref, sc_ref, lp_ref,
                 out_ref, cand_ref, gap_ref, kld_ref):
    b = pl.program_id(0)
    m = pl.program_id(1)

    xs = x_ref[0]
    mus = mus_ref[0]
    musbf = musbf_ref[0]
    sc = jnp.clip(sc_ref[0], _EPS, None)
    lp = lp_ref[0]

    a = 0.5 / (sc * sc)
    musq = jnp.sum(mus * mus, axis=1, keepdims=True)
    cst = -_D * (jnp.log(sc) + _C) + lp

    dot = jnp.dot(mus, xs, preferred_element_type=jnp.float32,
                  precision=jax.lax.Precision.HIGHEST)
    logits = a * (2.0 * dot - musq) + cst

    colmax = jnp.max(logits, axis=0, keepdims=True)
    shifted = logits - colmax
    e = jnp.exp(shifted)
    se = jnp.sum(e, axis=0, keepdims=True)
    lse_sh = jnp.log(se)
    p = e / se
    lpmax = jnp.max(lp)
    log_prior = lp - (lpmax + jnp.log(jnp.sum(jnp.exp(lp - lpmax))))
    kld_part = jnp.sum(p * (shifted - lse_sh - log_prior))

    iota = jax.lax.broadcasted_iota(jnp.int32, (_K, _HW), 0)
    lcur = logits
    idxs = []
    vals = []
    for _ in range(4):
        vmax = jnp.max(lcur, axis=0, keepdims=True)
        idx = jnp.min(jnp.where(lcur == vmax, iota, _K), axis=0, keepdims=True)
        idxs.append(idx)
        vals.append(vmax)
        lcur = jnp.where(iota == idx, _NEG, lcur)

    cand_ref[0] = jnp.concatenate(idxs, axis=0)
    gap_ref[0] = vals[0] - vals[1]

    onehot = (iota == idxs[0]).astype(jnp.float32)
    sampleT = jax.lax.dot_general(
        musbf, onehot, (((0,), (0,)), ((), ())),
        preferred_element_type=jnp.float32,
        precision=jax.lax.Precision.HIGHEST)
    out_ref[0] = sampleT

    @pl.when(jnp.logical_and(b == 0, m == 0))
    def _init():
        kld_ref[...] = jnp.zeros((1, 1), jnp.float32)
    kld_ref[...] += jnp.reshape(kld_part, (1, 1))


def _ref_tree_sum(w):
    parts = []
    for c in range(4):
        t = w[:, 8 * c:8 * c + 8]
        t = t[:, 0:4] + t[:, 4:8]
        t = t[:, 0:2] + t[:, 2:4]
        t = t[:, 0:1] + t[:, 1:2]
        parts.append(t)
    return ((parts[0] + parts[1]) + parts[2]) + parts[3]


def _stage2_body(xrow_ref, msel_ref, musg_ref, musbfg_ref, aux_ref,
                 kc_ref, row_ref):
    xrow = xrow_ref[...]
    msel = msel_ref[...]
    xg = jnp.zeros((_S, _D), jnp.float32)
    for m in range(_M):
        pick = (msel == m).astype(jnp.float32)
        xg = xg + xrow[:, m * _D:(m + 1) * _D] * pick

    bv = bk = brow = None
    for j in range(4):
        sl = slice(j * _S, (j + 1) * _S)
        musg = musg_ref[sl, :]
        aux = aux_ref[sl, :]
        diff = xg - musg
        w = -(diff * diff) / aux[:, 0:1] - aux[:, 1:2] - _C
        v = _ref_tree_sum(w) + aux[:, 2:3]
        kj = kc_ref[sl, :]
        rj = musbfg_ref[sl, :]
        if j == 0:
            bv, bk, brow = v, kj, rj
        else:
            better = jnp.logical_or(v > bv,
                                    jnp.logical_and(v == bv, kj < bk))
            bv = jnp.where(better, v, bv)
            bk = jnp.where(better, kj, bk)
            brow = jnp.where(jnp.broadcast_to(better, (_S, _D)), rj, brow)
    row_ref[...] = brow


@jax.jit
def kernel(x, mus, scales, log_py_raw):
    b, c, h, w = x.shape
    hw = h * w
    x3 = x.reshape(b, c, hw)
    sc3 = scales.reshape(_M, _K, 1)
    lp3 = log_py_raw.reshape(_M, _K, 1)
    musbf = mus.astype(jnp.bfloat16).astype(jnp.float32)

    sample3, cand, gap, kld_acc = pl.pallas_call(
        _stage1_body,
        grid=(b, _M),
        in_specs=[
            pl.BlockSpec((1, _D, hw), lambda bi, mi: (bi, mi, 0)),
            pl.BlockSpec((1, _K, _D), lambda bi, mi: (mi, 0, 0)),
            pl.BlockSpec((1, _K, _D), lambda bi, mi: (mi, 0, 0)),
            pl.BlockSpec((1, _K, 1), lambda bi, mi: (mi, 0, 0)),
            pl.BlockSpec((1, _K, 1), lambda bi, mi: (mi, 0, 0)),
        ],
        out_specs=[
            pl.BlockSpec((1, _D, hw), lambda bi, mi: (bi, mi, 0)),
            pl.BlockSpec((1, 4, hw), lambda bi, mi: (bi * _M + mi, 0, 0)),
            pl.BlockSpec((1, 1, hw), lambda bi, mi: (bi * _M + mi, 0, 0)),
            pl.BlockSpec((1, 1), lambda bi, mi: (0, 0)),
        ],
        out_shape=[
            jax.ShapeDtypeStruct((b, c, hw), jnp.float32),
            jax.ShapeDtypeStruct((b * _M, 4, hw), jnp.int32),
            jax.ShapeDtypeStruct((b * _M, 1, hw), jnp.float32),
            jax.ShapeDtypeStruct((1, 1), jnp.float32),
        ],
    )(x3, mus, musbf, sc3, lp3)

    riskflat = (gap[:, 0, :] < _DELTA).reshape(-1)
    rows = jnp.nonzero(riskflat, size=_S, fill_value=0)[0]
    bm_s = rows // hw
    t_s = rows % hw
    b_s = bm_s // _M
    m_s = bm_s % _M

    candF = cand.transpose(0, 2, 1).reshape(-1, 4)
    cands = candF[rows]
    cm = cands.T.reshape(-1)
    m_s4 = jnp.tile(m_s, 4)
    flat4 = m_s4 * _K + cm

    xt = x3.transpose(0, 2, 1).reshape(-1, c)
    xrow = xt[b_s * hw + t_s]

    mus2 = mus.reshape(_M * _K, _D)
    musg = mus2[flat4]
    musbfg = musbf.reshape(_M * _K, _D)[flat4]
    scck = jnp.clip(scales, _EPS, None)
    aux = jnp.concatenate([
        (2.0 * scck ** 2).reshape(-1, 1),
        jnp.log(scck).reshape(-1, 1),
        log_py_raw.reshape(-1, 1),
        jnp.zeros((_M * _K, 1), jnp.float32),
    ], axis=1)
    auxg = aux[flat4]

    win_rows = pl.pallas_call(
        _stage2_body,
        out_shape=jax.ShapeDtypeStruct((_S, _D), jnp.float32),
    )(xrow, m_s.reshape(-1, 1), musg, musbfg, auxg, cm.reshape(-1, 1))

    dcols_s = m_s[:, None] * _D + jnp.arange(_D)[None, :]
    sample3 = sample3.at[b_s[:, None], dcols_s, t_s[:, None]].set(win_rows)

    sample = sample3.reshape(b, c, h, w)
    kldesum = kld_acc[0, 0] / b
    return (sample, kldesum, jnp.zeros_like(kldesum))

# --- scband reference (transcript-rebuilt; emitter-appended) ---
"""Pipeline reference for scband-multi-codebook-soft-vq-23811298689883 (READ-ONLY COPY).

The authoritative reference and input builder live on the scoring server;
editing this copy changes nothing except your own understanding.
"""

import jax, jax.numpy as jnp
import numpy as np
import math

M, K, D = 8, 256, 32
EPS = 1e-05


def setup_inputs(seed: int = 0) -> dict:
    key = jax.random.key(seed)
    k1, k2 = jax.random.split(key)
    x = jax.random.normal(k1, (2, M * D, 16, 16), dtype=jnp.float32)
    mus = jax.random.uniform(k2, (M, K, D), minval=-1.0 / K, maxval=1.0 / K, dtype=jnp.float32)
    scales = jnp.ones((M, K, 1), dtype=jnp.float32) / math.sqrt(2.0)
    log_py_raw = jnp.ones((M, K), dtype=jnp.float32)
    return {"x": x, "mus": mus, "scales": scales, "log_py_raw": log_py_raw}


def reference(x, mus, scales, log_py_raw):
    # eval-mode forward of MultiCodebookSoftVQ (hard argmax assignment, rand_cb=False)
    b, c, h, w = x.shape
    xin = jnp.transpose(x, (0, 2, 3, 1)).reshape(b * h * w, M, D)
    sc = jnp.clip(scales, EPS, None)
    # Normal log_prob, summed over code dim (scale broadcast over d as in torch)
    diff = xin[:, :, None, :] - mus[None]                      # [N, m, k, d]
    log_prob = -(diff ** 2) / (2.0 * sc ** 2) - jnp.log(sc) - 0.5 * jnp.log(2.0 * jnp.pi)
    log_probs_raw = jnp.sum(log_prob, axis=-1) + log_py_raw[None]   # [N, m, k]
    probs = jax.nn.softmax(log_probs_raw, axis=-1)
    log_probs = jax.nn.log_softmax(log_probs_raw, axis=-1)
    idx = jnp.argmax(probs, axis=-1)                           # [N, m]
    onehot = jax.nn.one_hot(idx, K, dtype=probs.dtype)         # [N, m, k]
    sample = jnp.einsum('bmk,mkd->bmd', onehot, mus)           # [N, m, d]
    sample = jnp.transpose(sample.reshape(b, h, w, M * D), (0, 3, 1, 2))
    log_prior = log_py_raw - jax.nn.logsumexp(log_py_raw, axis=-1, keepdims=True)
    klde = probs * (log_probs - log_prior[None])
    klde = jnp.where(probs == 0, 0.0, klde)
    klde = klde.reshape(b, -1)
    kldesum = jnp.mean(jnp.sum(klde, axis=-1))
    return (sample, kldesum, jnp.zeros_like(kldesum))

if __name__ == "__main__":
    import jax
    _d = setup_inputs()
    print(jax.jit(kernel)(*tuple(_d.values())))

</pallas_src>

<mosaic_0001>
module attributes {stable_mosaic.version = 14 : i64} {
  func.func @_stage1_body(%arg0: i32, %arg1: i32, %arg2: memref<1x32x256xf32, #tpu.memory_space<vmem>>, %arg3: memref<1x256x32xf32, #tpu.memory_space<vmem>>, %arg4: memref<1x256x32xf32, #tpu.memory_space<vmem>>, %arg5: memref<1x256x1xf32, #tpu.memory_space<vmem>>, %arg6: memref<1x256x1xf32, #tpu.memory_space<vmem>>, %arg7: memref<1x32x256xf32, #tpu.memory_space<vmem>>, %arg8: memref<1x4x256xi32, #tpu.memory_space<vmem>>, %arg9: memref<1x1x256xf32, #tpu.memory_space<vmem>>, %arg10: memref<1x1xf32, #tpu.memory_space<vmem>>) attributes {dimension_semantics = [#tpu.dimension_semantics<arbitrary>, #tpu.dimension_semantics<arbitrary>], iteration_bounds = array<i64: 2, 8>, scalar_prefetch = 0 : i64, scratch_operands = 0 : i64, tpu.core_type = #tpu.core_type<tc>, window_params = [{transform_indices = @transform_0, window_bounds = array<i64: 1, 32, 256>}, {transform_indices = @transform_1, window_bounds = array<i64: 1, 256, 32>}, {transform_indices = @transform_2, window_bounds = array<i64: 1, 256, 32>}, {transform_indices = @transform_3, window_bounds = array<i64: 1, 256, 1>}, {transform_indices = @transform_4, window_bounds = array<i64: 1, 256, 1>}, {transform_indices = @transform_5, window_bounds = array<i64: 1, 32, 256>}, {transform_indices = @transform_6, window_bounds = array<i64: 1, 4, 256>}, {transform_indices = @transform_7, window_bounds = array<i64: 1, 1, 256>}, {pipeline_mode = #tpu.pipeline_mode<synchronous>, transform_indices = @transform_8, window_bounds = array<i64: 1, 1>}]} {
    %get3A = arith.constant 0 : index
    %get3A_0 = arith.constant 0 : index
    %get3A_1 = arith.constant 0 : index
    %get3A_2 = vector.load %arg2[%get3A, %get3A_0, %get3A_1] : memref<1x32x256xf32, #tpu.memory_space<vmem>>, vector<1x32x256xf32>
    %get3A_3 = vector.shape_cast %get3A_2 : vector<1x32x256xf32> to vector<32x256xf32>
    %get3A_4 = arith.constant 0 : index
    %get3A_5 = arith.constant 0 : index
    %get3A_6 = arith.constant 0 : index
    %get3A_7 = vector.load %arg3[%get3A_4, %get3A_5, %get3A_6] : memref<1x256x32xf32, #tpu.memory_space<vmem>>, vector<1x256x32xf32>
    %get3A_8 = vector.shape_cast %get3A_7 : vector<1x256x32xf32> to vector<256x32xf32>
    %get3A_9 = arith.constant 0 : index
    %get3A_10 = arith.constant 0 : index
    %get3A_11 = arith.constant 0 : index
    %get3A_12 = vector.load %arg4[%get3A_9, %get3A_10, %get3A_11] : memref<1x256x32xf32, #tpu.memory_space<vmem>>, vector<1x256x32xf32>
    %get3A_13 = vector.shape_cast %get3A_12 : vector<1x256x32xf32> to vector<256x32xf32>
    %get3A_14 = arith.constant 0 : index
    %get3A_15 = arith.constant 0 : index
    %get3A_16 = arith.constant 0 : index
    %get3A_17 = vector.load %arg5[%get3A_14, %get3A_15, %get3A_16] : memref<1x256x1xf32, #tpu.memory_space<vmem>>, vector<1x256x1xf32>
    %get3A_18 = vector.shape_cast %get3A_17 : vector<1x256x1xf32> to vector<256x1xf32>
    %jit3A = arith.constant 9.99999974E-6 : f32
    %max3A = vector.broadcast %jit3A : f32 to vector<256x1xf32>
    %max3A_19 = arith.maximumf %max3A, %get3A_18 : vector<256x1xf32>
    %get3A_20 = arith.constant 0 : index
    %get3A_21 = arith.constant 0 : index
    %get3A_22 = arith.constant 0 : index
    %get3A_23 = vector.load %arg6[%get3A_20, %get3A_21, %get3A_22] : memref<1x256x1xf32, #tpu.memory_space<vmem>>, vector<1x256x1xf32>
    %get3A_24 = vector.shape_cast %get3A_23 : vector<1x256x1xf32> to vector<256x1xf32>
    %mul3A = arith.mulf %max3A_19, %max3A_19 : vector<256x1xf32>
    %div3A = arith.constant 5.000000e-01 : f32
    %div3A_25 = vector.broadcast %div3A : f32 to vector<256x1xf32>
    %div3A_26 = arith.divf %div3A_25, %mul3A : vector<256x1xf32>
    %mul3A_27 = arith.mulf %get3A_8, %get3A_8 : vector<256x32xf32>
    %reduce_sum3A = arith.constant dense<0.000000e+00> : vector<256xf32>
    %reduce_sum3A_28 = vector.multi_reduction <add>, %mul3A_27, %reduce_sum3A [1] : vector<256x32xf32> to vector<256xf32>
    %broadcast_in_dim3A = vector.shape_cast %reduce_sum3A_28 : vector<256xf32> to vector<256x1xf32>
    %log3A = math.log %max3A_19 : vector<256x1xf32>
    %add3A = arith.constant 0.918938517 : f32
    %add3A_29 = vector.broadcast %add3A : f32 to vector<256x1xf32>
    %add3A_30 = arith.addf %log3A, %add3A_29 : vector<256x1xf32>
    %mul3A_31 = arith.constant -3.200000e+01 : f32
    %mul3A_32 = vector.broadcast %mul3A_31 : f32 to vector<256x1xf32>
    %mul3A_33 = arith.mulf %mul3A_32, %add3A_30 : vector<256x1xf32>
    %add3A_34 = arith.addf %mul3A_33, %get3A_24 : vector<256x1xf32>
    %dot_general3A = arith.constant dense<0.000000e+00> : vector<256x256xf32>
    %dot_general3A_35 = tpu.matmul %get3A_8, %get3A_3, %dot_general3A {dimension_numbers = #tpu.dot_dimension_numbers<[1], [0], [0], [1], [0, 0, 1, 1], [], []>, precision = #tpu.contract_precision<fp32>, transpose_lhs_hint = false} : vector<256x32xf32>, vector<32x256xf32>, vector<256x256xf32> -> vector<256x256xf32>
    %mul3A_36 = arith.constant 2.000000e+00 : f32
    %mul3A_37 = vector.broadcast %mul3A_36 : f32 to vector<256x256xf32>
    %mul3A_38 = arith.mulf %mul3A_37, %dot_general3A_35 : vector<256x256xf32>
    %sub3A = vector.broadcast %broadcast_in_dim3A : vector<256x1xf32> to vector<256x256xf32>
    %sub3A_39 = arith.subf %mul3A_38, %sub3A : vector<256x256xf32>
    %mul3A_40 = vector.broadcast %div3A_26 : vector<256x1xf32> to vector<256x256xf32>
    %mul3A_41 = arith.mulf %mul3A_40, %sub3A_39 : vector<256x256xf32>
    %add3A_42 = vector.broadcast %add3A_34 : vector<256x1xf32> to vector<256x256xf32>
    %add3A_43 = arith.addf %mul3A_41, %add3A_42 : vector<256x256xf32>
    %reduce_max3A = arith.constant dense<0xFF800000> : vector<256xf32>
    %reduce_max3A_44 = vector.multi_reduction <maximumf>, %add3A_43, %reduce_max3A [0] : vector<256x256xf32> to vector<256xf32>
    %broadcast_in_dim3A_45 = vector.shape_cast %reduce_max3A_44 : vector<256xf32> to vector<1x256xf32>
    %sub3A_46 = vector.broadcast %broadcast_in_dim3A_45 : vector<1x256xf32> to vector<256x256xf32>
    %sub3A_47 = arith.subf %add3A_43, %sub3A_46 : vector<256x256xf32>
    %exp3A = math.exp %sub3A_47 : vector<256x256xf32>
    %reduce_sum3A_48 = arith.constant dense<0.000000e+00> : vector<256xf32>
    %reduce_sum3A_49 = vector.multi_reduction <add>, %exp3A, %reduce_sum3A_48 [0] : vector<256x256xf32> to vector<256xf32>
    %broadcast_in_dim3A_50 = vector.shape_cast %reduce_sum3A_49 : vector<256xf32> to vector<1x256xf32>
    %log3A_51 = math.log %broadcast_in_dim3A_50 : vector<1x256xf32>
    %div3A_52 = vector.broadcast %broadcast_in_dim3A_50 : vector<1x256xf32> to vector<256x256xf32>
    %div3A_53 = arith.divf %exp3A, %div3A_52 : vector<256x256xf32>
    %reduce_max3A_54 = vector.shape_cast %get3A_24 : vector<256x1xf32> to vector<1x256x1xf32>
    %reduce_max3A_55 = arith.constant dense<0xFF800000> : vector<1xf32>
    %reduce_max3A_56 = vector.multi_reduction <maximumf>, %reduce_max3A_54, %reduce_max3A_55 [1, 2] : vector<1x256x1xf32> to vector<1xf32>
    %reduce_max3A_57 = vector.shape_cast %reduce_max3A_56 : vector<1xf32> to vector<1x1x1xf32>
    %reduce_max3A_58 = vector.extract %reduce_max3A_57[0, 0, 0] : f32 from vector<1x1x1xf32>
    %sub3A_59 = vector.broadcast %reduce_max3A_58 : f32 to vector<256x1xf32>
    %sub3A_60 = arith.subf %get3A_24, %sub3A_59 : vector<256x1xf32>
    %exp3A_61 = math.exp %sub3A_60 : vector<256x1xf32>
    %reduce_sum3A_62 = vector.shape_cast %exp3A_61 : vector<256x1xf32> to vector<1x256x1xf32>
    %reduce_sum3A_63 = arith.constant dense<0.000000e+00> : vector<1xf32>
    %reduce_sum3A_64 = vector.multi_reduction <add>, %reduce_sum3A_62, %reduce_sum3A_63 [1, 2] : vector<1x256x1xf32> to vector<1xf32>
    %reduce_sum3A_65 = vector.shape_cast %reduce_sum3A_64 : vector<1xf32> to vector<1x1x1xf32>
    %reduce_sum3A_66 = vector.extract %reduce_sum3A_65[0, 0, 0] : f32 from vector<1x1x1xf32>
    %log3A_67 = math.log %reduce_sum3A_66 : f32
    %add3A_68 = arith.addf %reduce_max3A_58, %log3A_67 : f32
    %sub3A_69 = vector.broadcast %add3A_68 : f32 to vector<256x1xf32>
    %sub3A_70 = arith.subf %get3A_24, %sub3A_69 : vector<256x1xf32>
    %sub3A_71 = vector.broadcast %log3A_51 : vector<1x256xf32> to vector<256x256xf32>
    %sub3A_72 = arith.subf %sub3A_47, %sub3A_71 : vector<256x256xf32>
    %sub3A_73 = vector.broadcast %sub3A_70 : vector<256x1xf32> to vector<256x256xf32>
    %sub3A_74 = arith.subf %sub3A_72, %sub3A_73 : vector<256x256xf32>
    %mul3A_75 = arith.mulf %div3A_53, %sub3A_74 : vector<256x256xf32>
    %reduce_sum3A_76 = vector.shape_cast %mul3A_75 : vector<256x256xf32> to vector<1x256x256xf32>
    %reduce_sum3A_77 = arith.constant dense<0.000000e+00> : vector<1xf32>
    %reduce_sum3A_78 = vector.multi_reduction <add>, %reduce_sum3A_76, %reduce_sum3A_77 [1, 2] : vector<1x256x256xf32> to vector<1xf32>
    %reduce_sum3A_79 = vector.shape_cast %reduce_sum3A_78 : vector<1xf32> to vector<1x1x1xf32>
    %reduce_sum3A_80 = vector.extract %reduce_sum3A_79[0, 0, 0] : f32 from vector<1x1x1xf32>
    %iota3A = tpu.iota {dimensions = array<i32: 0>} : vector<256x256xi32>
    %reduce_max3A_81 = arith.constant dense<0xFF800000> : vector<256xf32>
    %reduce_max3A_82 = vector.multi_reduction <maximumf>, %add3A_43, %reduce_max3A_81 [0] : vector<256x256xf32> to vector<256xf32>
    %broadcast_in_dim3A_83 = vector.shape_cast %reduce_max3A_82 : vector<256xf32> to vector<1x256xf32>
    %eq3A = vector.broadcast %broadcast_in_dim3A_83 : vector<1x256xf32> to vector<256x256xf32>
    %eq3A_84 = arith.cmpf oeq, %add3A_43, %eq3A : vector<256x256xf32>
    %jit3A_85 = arith.constant 256 : i32
    %broadcast_in_dim3A_86 = vector.broadcast %jit3A_85 : i32 to vector<256x256xi32>
    %select_n3A = arith.select %eq3A_84, %iota3A, %broadcast_in_dim3A_86 : vector<256x256xi1>, vector<256x256xi32>
    %reduce_min3A = arith.constant dense<2147483647> : vector<256xi32>
    %reduce_min3A_87 = vector.multi_reduction <minsi>, %select_n3A, %reduce_min3A [0] : vector<256x256xi32> to vector<256xi32>
    %broadcast_in_dim3A_88 = vector.shape_cast %reduce_min3A_87 : vector<256xi32> to vector<1x256xi32>
    %eq3A_89 = vector.broadcast %broadcast_in_dim3A_88 : vector<1x256xi32> to vector<256x256xi32>
    %eq3A_90 = arith.cmpi eq, %iota3A, %eq3A_89 : vector<256x256xi32>
    %jit3A_91 = arith.constant -1.000000e+30 : f32
    %broadcast_in_dim3A_92 = vector.broadcast %jit3A_91 : f32 to vector<256x256xf32>
    %select_n3A_93 = arith.select %eq3A_90, %broadcast_in_dim3A_92, %add3A_43 : vector<256x256xi1>, vector<256x256xf32>
    %reduce_max3A_94 = arith.constant dense<0xFF800000> : vector<256xf32>
    %reduce_max3A_95 = vector.multi_reduction <maximumf>, %select_n3A_93, %reduce_max3A_94 [0] : vector<256x256xf32> to vector<256xf32>
    %broadcast_in_dim3A_96 = vector.shape_cast %reduce_max3A_95 : vector<256xf32> to vector<1x256xf32>
    %eq3A_97 = vector.broadcast %broadcast_in_dim3A_96 : vector<1x256xf32> to vector<256x256xf32>
    %eq3A_98 = arith.cmpf oeq, %select_n3A_93, %eq3A_97 : vector<256x256xf32>
    %jit3A_99 = arith.constant 256 : i32
    %broadcast_in_dim3A_100 = vector.broadcast %jit3A_99 : i32 to vector<256x256xi32>
    %select_n3A_101 = arith.select %eq3A_98, %iota3A, %broadcast_in_dim3A_100 : vector<256x256xi1>, vector<256x256xi32>
    %reduce_min3A_102 = arith.constant dense<2147483647> : vector<256xi32>
    %reduce_min3A_103 = vector.multi_reduction <minsi>, %select_n3A_101, %reduce_min3A_102 [0] : vector<256x256xi32> to vector<256xi32>
    %broadcast_in_dim3A_104 = vector.shape_cast %reduce_min3A_103 : vector<256xi32> to vector<1x256xi32>
    %eq3A_105 = vector.broadcast %broadcast_in_dim3A_104 : vector<1x256xi32> to vector<256x256xi32>
    %eq3A_106 = arith.cmpi eq, %iota3A, %eq3A_105 : vector<256x256xi32>
    %jit3A_107 = arith.constant -1.000000e+30 : f32
    %broadcast_in_dim3A_108 = vector.broadcast %jit3A_107 : f32 to vector<256x256xf32>
    %select_n3A_109 = arith.select %eq3A_106, %broadcast_in_dim3A_108, %select_n3A_93 : vector<256x256xi1>, vector<256x256xf32>
    %reduce_max3A_110 = arith.constant dense<0xFF800000> : vector<256xf32>
    %reduce_max3A_111 = vector.multi_reduction <maximumf>, %select_n3A_109, %reduce_max3A_110 [0] : vector<256x256xf32> to vector<256xf32>
    %broadcast_in_dim3A_112 = vector.shape_cast %reduce_max3A_111 : vector<256xf32> to vector<1x256xf32>
    %eq3A_113 = vector.broadcast %broadcast_in_dim3A_112 : vector<1x256xf32> to vector<256x256xf32>
    %eq3A_114 = arith.cmpf oeq, %select_n3A_109, %eq3A_113 : vector<256x256xf32>
    %jit3A_115 = arith.constant 256 : i32
    %broadcast_in_dim3A_116 = vector.broadcast %jit3A_115 : i32 to vector<256x256xi32>
    %select_n3A_117 = arith.select %eq3A_114, %iota3A, %broadcast_in_dim3A_116 : vector<256x256xi1>, vector<256x256xi32>
    %reduce_min3A_118 = arith.constant dense<2147483647> : vector<256xi32>
    %reduce_min3A_119 = vector.multi_reduction <minsi>, %select_n3A_117, %reduce_min3A_118 [0] : vector<256x256xi32> to vector<256xi32>
    %broadcast_in_dim3A_120 = vector.shape_cast %reduce_min3A_119 : vector<256xi32> to vector<1x256xi32>
    %eq3A_121 = vector.broadcast %broadcast_in_dim3A_120 : vector<1x256xi32> to vector<256x256xi32>
    %eq3A_122 = arith.cmpi eq, %iota3A, %eq3A_121 : vector<256x256xi32>
    %jit3A_123 = arith.constant -1.000000e+30 : f32
    %broadcast_in_dim3A_124 = vector.broadcast %jit3A_123 : f32 to vector<256x256xf32>
    %select_n3A_125 = arith.select %eq3A_122, %broadcast_in_dim3A_124, %select_n3A_109 : vector<256x256xi1>, vector<256x256xf32>
    %reduce_max3A_126 = arith.constant dense<0xFF800000> : vector<256xf32>
    %reduce_max3A_127 = vector.multi_reduction <maximumf>, %select_n3A_125, %reduce_max3A_126 [0] : vector<256x256xf32> to vector<256xf32>
    %broadcast_in_dim3A_128 = vector.shape_cast %reduce_max3A_127 : vector<256xf32> to vector<1x256xf32>
    %eq3A_129 = vector.broadcast %broadcast_in_dim3A_128 : vector<1x256xf32> to vector<256x256xf32>
    %eq3A_130 = arith.cmpf oeq, %select_n3A_125, %eq3A_129 : vector<256x256xf32>
    %jit3A_131 = arith.constant 256 : i32
    %broadcast_in_dim3A_132 = vector.broadcast %jit3A_131 : i32 to vector<256x256xi32>
    %select_n3A_133 = arith.select %eq3A_130, %iota3A, %broadcast_in_dim3A_132 : vector<256x256xi1>, vector<256x256xi32>
    %reduce_min3A_134 = arith.constant dense<2147483647> : vector<256xi32>
    %reduce_min3A_135 = vector.multi_reduction <minsi>, %select_n3A_133, %reduce_min3A_134 [0] : vector<256x256xi32> to vector<256xi32>
    %broadcast_in_dim3A_136 = vector.shape_cast %reduce_min3A_135 : vector<256xi32> to vector<1x256xi32>
    %concatenate3A = tpu.concatenate %broadcast_in_dim3A_88, %broadcast_in_dim3A_104, %broadcast_in_dim3A_120, %broadcast_in_dim3A_136 in 0 : vector<1x256xi32>, vector<1x256xi32>, vector<1x256xi32>, vector<1x256xi32> -> vector<4x256xi32>
    %swap3A = arith.constant 0 : index
    %swap3A_137 = arith.constant 0 : index
    %swap3A_138 = arith.constant 0 : index
    %swap3A_139 = vector.load %arg8[%swap3A, %swap3A_137, %swap3A_138] : memref<1x4x256xi32, #tpu.memory_space<vmem>>, vector<1x4x256xi32>
    %swap3A_140 = vector.shape_cast %swap3A_139 : vector<1x4x256xi32> to vector<4x256xi32>
    %swap3A_141 = vector.shape_cast %concatenate3A : vector<4x256xi32> to vector<1x4x256xi32>
    tpu.vector_store %arg8[%swap3A, %swap3A_137, %swap3A_138], %swap3A_141 {strides = array<i32>} : memref<1x4x256xi32, #tpu.memory_space<vmem>>, vector<1x4x256xi32>,
    %sub3A_142 = arith.subf %broadcast_in_dim3A_83, %broadcast_in_dim3A_96 : vector<1x256xf32>
    %swap3A_143 = arith.constant 0 : index
    %swap3A_144 = arith.constant 0 : index
    %swap3A_145 = arith.constant 0 : index
    %swap3A_146 = vector.load %arg9[%swap3A_143, %swap3A_144, %swap3A_145] : memref<1x1x256xf32, #tpu.memory_space<vmem>>, vector<1x1x256xf32>
    %swap3A_147 = vector.shape_cast %swap3A_146 : vector<1x1x256xf32> to vector<1x256xf32>
    %swap3A_148 = vector.shape_cast %sub3A_142 : vector<1x256xf32> to vector<1x1x256xf32>
    tpu.vector_store %arg9[%swap3A_143, %swap3A_144, %swap3A_145], %swap3A_148 {strides = array<i32>} : memref<1x1x256xf32, #tpu.memory_space<vmem>>, vector<1x1x256xf32>,
    %eq3A_149 = vector.broadcast %broadcast_in_dim3A_88 : vector<1x256xi32> to vector<256x256xi32>
    %eq3A_150 = arith.cmpi eq, %iota3A, %eq3A_149 : vector<256x256xi32>
    %convert_element_type3A = arith.extui %eq3A_150 : vector<256x256xi1> to vector<256x256xi32>
    %convert_element_type3A_151 = arith.sitofp %convert_element_type3A : vector<256x256xi32> to vector<256x256xf32>
    %dot_general3A_152 = arith.constant dense<0.000000e+00> : vector<32x256xf32>
    %dot_general3A_153 = tpu.matmul %get3A_13, %convert_element_type3A_151, %dot_general3A_152 {dimension_numbers = #tpu.dot_dimension_numbers<[0], [0], [1], [1], [0, 1, 1, 1], [], []>, precision = #tpu.contract_precision<fp32>, transpose_lhs_hint = false} : vector<256x32xf32>, vector<256x256xf32>, vector<32x256xf32> -> vector<32x256xf32>
    %swap3A_154 = arith.constant 0 : index
    %swap3A_155 = arith.constant 0 : index
    %swap3A_156 = arith.constant 0 : index
    %swap3A_157 = vector.load %arg7[%swap3A_154, %swap3A_155, %swap3A_156] : memref<1x32x256xf32, #tpu.memory_space<vmem>>, vector<1x32x256xf32>
    %swap3A_158 = vector.shape_cast %swap3A_157 : vector<1x32x256xf32> to vector<32x256xf32>
    %swap3A_159 = vector.shape_cast %dot_general3A_153 : vector<32x256xf32> to vector<1x32x256xf32>
    tpu.vector_store %arg7[%swap3A_154, %swap3A_155, %swap3A_156], %swap3A_159 {strides = array<i32>} : memref<1x32x256xf32, #tpu.memory_space<vmem>>, vector<1x32x256xf32>,
    %eq3A_160 = arith.constant 0 : i32
    %eq3A_161 = arith.cmpi eq, %arg0, %eq3A_160 : i32
    %eq3A_162 = arith.constant 0 : i32
    %eq3A_163 = arith.cmpi eq, %arg1, %eq3A_162 : i32
    %and3A = arith.andi %eq3A_161, %eq3A_163 : i1
    %convert_element_type3A_164 = arith.extui %and3A : i1 to i32
    %cond3A = arith.constant 0 : i32
    %cond3A_165 = arith.cmpi ne, %convert_element_type3A_164, %cond3A : i32
    scf.if %cond3A_165 {
      %broadcast_in_dim3A_173 = arith.constant 0.000000e+00 : f32
      %broadcast_in_dim3A_174 = vector.broadcast %broadcast_in_dim3A_173 : f32 to vector<1x1xf32>
      %swap3A_175 = arith.constant 0 : index
      %swap3A_176 = arith.constant 0 : index
      %swap3A_177 = vector.load %arg10[%swap3A_175, %swap3A_176] : memref<1x1xf32, #tpu.memory_space<vmem>>, vector<1x1xf32>
      tpu.vector_store %arg10[%swap3A_175, %swap3A_176], %broadcast_in_dim3A_174 {strides = array<i32>} : memref<1x1xf32, #tpu.memory_space<vmem>>, vector<1x1xf32>,
    } else {
    }
    %get3A_166 = arith.constant 0 : index
    %get3A_167 = arith.constant 0 : index
    %get3A_168 = vector.load %arg10[%get3A_166, %get3A_167] : memref<1x1xf32, #tpu.memory_space<vmem>>, vector<1x1xf32>
    %reshape3A = vector.broadcast %reduce_sum3A_80 : f32 to vector<1x1xf32>
    %add3A_169 = arith.addf %get3A_168, %reshape3A : vector<1x1xf32>
    %swap3A_170 = arith.constant 0 : index
    %swap3A_171 = arith.constant 0 : index
    %swap3A_172 = vector.load %arg10[%swap3A_170, %swap3A_171] : memref<1x1xf32, #tpu.memory_space<vmem>>, vector<1x1xf32>
    tpu.vector_store %arg10[%swap3A_170, %swap3A_171], %add3A_169 {strides = array<i32>} : memref<1x1xf32, #tpu.memory_space<vmem>>, vector<1x1xf32>,
    return
  }
  func.func @transform_0(%arg0: i32, %arg1: i32) -> (i32, i32, i32) {
    %c0_i32 = arith.constant 0 : i32
    %c0_i32_0 = arith.constant 0 : i32
    return %arg0, %arg1, %c0_i32 : i32, i32, i32
  }
  func.func @transform_1(%arg0: i32, %arg1: i32) -> (i32, i32, i32) {
    %c0_i32 = arith.constant 0 : i32
    %c0_i32_0 = arith.constant 0 : i32
    %c0_i32_1 = arith.constant 0 : i32
    return %arg1, %c0_i32, %c0_i32_0 : i32, i32, i32
  }
  func.func @transform_2(%arg0: i32, %arg1: i32) -> (i32, i32, i32) {
    %c0_i32 = arith.constant 0 : i32
    %c0_i32_0 = arith.constant 0 : i32
    %c0_i32_1 = arith.constant 0 : i32
    return %arg1, %c0_i32, %c0_i32_0 : i32, i32, i32
  }
  func.func @transform_3(%arg0: i32, %arg1: i32) -> (i32, i32, i32) {
    %c0_i32 = arith.constant 0 : i32
    %c0_i32_0 = arith.constant 0 : i32
    %c0_i32_1 = arith.constant 0 : i32
    return %arg1, %c0_i32, %c0_i32_0 : i32, i32, i32
  }
  func.func @transform_4(%arg0: i32, %arg1: i32) -> (i32, i32, i32) {
    %c0_i32 = arith.constant 0 : i32
    %c0_i32_0 = arith.constant 0 : i32
    %c0_i32_1 = arith.constant 0 : i32
    return %arg1, %c0_i32, %c0_i32_0 : i32, i32, i32
  }
  func.func @transform_5(%arg0: i32, %arg1: i32) -> (i32, i32, i32) {
    %c0_i32 = arith.constant 0 : i32
    %c0_i32_0 = arith.constant 0 : i32
    return %arg0, %arg1, %c0_i32 : i32, i32, i32
  }
  func.func @transform_6(%arg0: i32, %arg1: i32) -> (i32, i32, i32) {
    %mul3A = arith.constant 8 : i32
    %mul3A_0 = arith.muli %arg0, %mul3A : i32
    %add3A = arith.addi %mul3A_0, %arg1 : i32
    %c0_i32 = arith.constant 0 : i32
    %c0_i32_1 = arith.constant 0 : i32
    %c0_i32_2 = arith.constant 0 : i32
    return %add3A, %c0_i32, %c0_i32_1 : i32, i32, i32
  }
  func.func @transform_7(%arg0: i32, %arg1: i32) -> (i32, i32, i32) {
    %mul3A = arith.constant 8 : i32
    %mul3A_0 = arith.muli %arg0, %mul3A : i32
    %add3A = arith.addi %mul3A_0, %arg1 : i32
    %c0_i32 = arith.constant 0 : i32
    %c0_i32_1 = arith.constant 0 : i32
    %c0_i32_2 = arith.constant 0 : i32
    return %add3A, %c0_i32, %c0_i32_1 : i32, i32, i32
  }
  func.func @transform_8(%arg0: i32, %arg1: i32) -> (i32, i32) {
    %c0_i32 = arith.constant 0 : i32
    %c0_i32_0 = arith.constant 0 : i32
    %c0_i32_1 = arith.constant 0 : i32
    return %c0_i32, %c0_i32_0 : i32, i32
  }
}

module attributes {stable_mosaic.version = 14 : i64} {
  func.func @_stage2_body(%arg0: memref<128x256xf32, #tpu.memory_space<vmem>>, %arg1: memref<128x1xi32, #tpu.memory_space<vmem>>, %arg2: memref<512x32xf32, #tpu.memory_space<vmem>>, %arg3: memref<512x32xf32, #tpu.memory_space<vmem>>, %arg4: memref<512x4xf32, #tpu.memory_space<vmem>>, %arg5: memref<512x1xi32, #tpu.memory_space<vmem>>, %arg6: memref<128x32xf32, #tpu.memory_space<vmem>>) attributes {dimension_semantics = [], scalar_prefetch = 0 : i64, scratch_operands = 0 : i64, tpu.core_type = #tpu.core_type<tc>} {
    %get3A = arith.constant 0 : index
    %get3A_0 = arith.constant 0 : index
    %get3A_1 = vector.load %arg0[%get3A, %get3A_0] : memref<128x256xf32, #tpu.memory_space<vmem>>, vector<128x256xf32>
    %get3A_2 = arith.constant 0 : index
    %get3A_3 = arith.constant 0 : index
    %get3A_4 = vector.load %arg1[%get3A_2, %get3A_3] : memref<128x1xi32, #tpu.memory_space<vmem>>, vector<128x1xi32>
    %broadcast_in_dim3A = arith.constant 0.000000e+00 : f32
    %broadcast_in_dim3A_5 = vector.broadcast %broadcast_in_dim3A : f32 to vector<128x32xf32>
    %eq3A = arith.constant 0 : i32
    %eq3A_6 = vector.broadcast %eq3A : i32 to vector<128x1xi32>
    %eq3A_7 = arith.cmpi eq, %get3A_4, %eq3A_6 : vector<128x1xi32>
    %convert_element_type3A = arith.extui %eq3A_7 : vector<128x1xi1> to vector<128x1xi32>
    %convert_element_type3A_8 = arith.sitofp %convert_element_type3A : vector<128x1xi32> to vector<128x1xf32>
    %slice3A = vector.extract_strided_slice %get3A_1 {offsets = [0, 0], sizes = [128, 32], strides = [1, 1]} : vector<128x256xf32> to vector<128x32xf32>
    %mul3A = vector.broadcast %convert_element_type3A_8 : vector<128x1xf32> to vector<128x32xf32>
    %mul3A_9 = arith.mulf %slice3A, %mul3A : vector<128x32xf32>
    %add3A = arith.addf %broadcast_in_dim3A_5, %mul3A_9 : vector<128x32xf32>
    %eq3A_10 = arith.constant 1 : i32
    %eq3A_11 = vector.broadcast %eq3A_10 : i32 to vector<128x1xi32>
    %eq3A_12 = arith.cmpi eq, %get3A_4, %eq3A_11 : vector<128x1xi32>
    %convert_element_type3A_13 = arith.extui %eq3A_12 : vector<128x1xi1> to vector<128x1xi32>
    %convert_element_type3A_14 = arith.sitofp %convert_element_type3A_13 : vector<128x1xi32> to vector<128x1xf32>
    %slice3A_15 = vector.extract_strided_slice %get3A_1 {offsets = [0, 32], sizes = [128, 32], strides = [1, 1]} : vector<128x256xf32> to vector<128x32xf32>
    %mul3A_16 = vector.broadcast %convert_element_type3A_14 : vector<128x1xf32> to vector<128x32xf32>
    %mul3A_17 = arith.mulf %slice3A_15, %mul3A_16 : vector<128x32xf32>
    %add3A_18 = arith.addf %add3A, %mul3A_17 : vector<128x32xf32>
    %eq3A_19 = arith.constant 2 : i32
    %eq3A_20 = vector.broadcast %eq3A_19 : i32 to vector<128x1xi32>
    %eq3A_21 = arith.cmpi eq, %get3A_4, %eq3A_20 : vector<128x1xi32>
    %convert_element_type3A_22 = arith.extui %eq3A_21 : vector<128x1xi1> to vector<128x1xi32>
    %convert_element_type3A_23 = arith.sitofp %convert_element_type3A_22 : vector<128x1xi32> to vector<128x1xf32>
    %slice3A_24 = vector.extract_strided_slice %get3A_1 {offsets = [0, 64], sizes = [128, 32], strides = [1, 1]} : vector<128x256xf32> to vector<128x32xf32>
    %mul3A_25 = vector.broadcast %convert_element_type3A_23 : vector<128x1xf32> to vector<128x32xf32>
    %mul3A_26 = arith.mulf %slice3A_24, %mul3A_25 : vector<128x32xf32>
    %add3A_27 = arith.addf %add3A_18, %mul3A_26 : vector<128x32xf32>
    %eq3A_28 = arith.constant 3 : i32
    %eq3A_29 = vector.broadcast %eq3A_28 : i32 to vector<128x1xi32>
    %eq3A_30 = arith.cmpi eq, %get3A_4, %eq3A_29 : vector<128x1xi32>
    %convert_element_type3A_31 = arith.extui %eq3A_30 : vector<128x1xi1> to vector<128x1xi32>
    %convert_element_type3A_32 = arith.sitofp %convert_element_type3A_31 : vector<128x1xi32> to vector<128x1xf32>
    %slice3A_33 = vector.extract_strided_slice %get3A_1 {offsets = [0, 96], sizes = [128, 32], strides = [1, 1]} : vector<128x256xf32> to vector<128x32xf32>
    %mul3A_34 = vector.broadcast %convert_element_type3A_32 : vector<128x1xf32> to vector<128x32xf32>
    %mul3A_35 = arith.mulf %slice3A_33, %mul3A_34 : vector<128x32xf32>
    %add3A_36 = arith.addf %add3A_27, %mul3A_35 : vector<128x32xf32>
    %eq3A_37 = arith.constant 4 : i32
    %eq3A_38 = vector.broadcast %eq3A_37 : i32 to vector<128x1xi32>
    %eq3A_39 = arith.cmpi eq, %get3A_4, %eq3A_38 : vector<128x1xi32>
    %convert_element_type3A_40 = arith.extui %eq3A_39 : vector<128x1xi1> to vector<128x1xi32>
    %convert_element_type3A_41 = arith.sitofp %convert_element_type3A_40 : vector<128x1xi32> to vector<128x1xf32>
    %slice3A_42 = vector.extract_strided_slice %get3A_1 {offsets = [0, 128], sizes = [128, 32], strides = [1, 1]} : vector<128x256xf32> to vector<128x32xf32>
    %mul3A_43 = vector.broadcast %convert_element_type3A_41 : vector<128x1xf32> to vector<128x32xf32>
    %mul3A_44 = arith.mulf %slice3A_42, %mul3A_43 : vector<128x32xf32>
    %add3A_45 = arith.addf %add3A_36, %mul3A_44 : vector<128x32xf32>
    %eq3A_46 = arith.constant 5 : i32
    %eq3A_47 = vector.broadcast %eq3A_46 : i32 to vector<128x1xi32>
    %eq3A_48 = arith.cmpi eq, %get3A_4, %eq3A_47 : vector<128x1xi32>
    %convert_element_type3A_49 = arith.extui %eq3A_48 : vector<128x1xi1> to vector<128x1xi32>
    %convert_element_type3A_50 = arith.sitofp %convert_element_type3A_49 : vector<128x1xi32> to vector<128x1xf32>
    %slice3A_51 = vector.extract_strided_slice %get3A_1 {offsets = [0, 160], sizes = [128, 32], strides = [1, 1]} : vector<128x256xf32> to vector<128x32xf32>
    %mul3A_52 = vector.broadcast %convert_element_type3A_50 : vector<128x1xf32> to vector<128x32xf32>
    %mul3A_53 = arith.mulf %slice3A_51, %mul3A_52 : vector<128x32xf32>
    %add3A_54 = arith.addf %add3A_45, %mul3A_53 : vector<128x32xf32>
    %eq3A_55 = arith.constant 6 : i32
    %eq3A_56 = vector.broadcast %eq3A_55 : i32 to vector<128x1xi32>
    %eq3A_57 = arith.cmpi eq, %get3A_4, %eq3A_56 : vector<128x1xi32>
    %convert_element_type3A_58 = arith.extui %eq3A_57 : vector<128x1xi1> to vector<128x1xi32>
    %convert_element_type3A_59 = arith.sitofp %convert_element_type3A_58 : vector<128x1xi32> to vector<128x1xf32>
    %slice3A_60 = vector.extract_strided_slice %get3A_1 {offsets = [0, 192], sizes = [128, 32], strides = [1, 1]} : vector<128x256xf32> to vector<128x32xf32>
    %mul3A_61 = vector.broadcast %convert_element_type3A_59 : vector<128x1xf32> to vector<128x32xf32>
    %mul3A_62 = arith.mulf %slice3A_60, %mul3A_61 : vector<128x32xf32>
    %add3A_63 = arith.addf %add3A_54, %mul3A_62 : vector<128x32xf32>
    %eq3A_64 = arith.constant 7 : i32
    %eq3A_65 = vector.broadcast %eq3A_64 : i32 to vector<128x1xi32>
    %eq3A_66 = arith.cmpi eq, %get3A_4, %eq3A_65 : vector<128x1xi32>
    %convert_element_type3A_67 = arith.extui %eq3A_66 : vector<128x1xi1> to vector<128x1xi32>
    %convert_element_type3A_68 = arith.sitofp %convert_element_type3A_67 : vector<128x1xi32> to vector<128x1xf32>
    %slice3A_69 = vector.extract_strided_slice %get3A_1 {offsets = [0, 224], sizes = [128, 32], strides = [1, 1]} : vector<128x256xf32> to vector<128x32xf32>
    %mul3A_70 = vector.broadcast %convert_element_type3A_68 : vector<128x1xf32> to vector<128x32xf32>
    %mul3A_71 = arith.mulf %slice3A_69, %mul3A_70 : vector<128x32xf32>
    %add3A_72 = arith.addf %add3A_63, %mul3A_71 : vector<128x32xf32>
    %get3A_73 = arith.constant 0 : index
    %get3A_74 = arith.constant 0 : index
    %get3A_75 = vector.load %arg2[%get3A_73, %get3A_74] : memref<512x32xf32, #tpu.memory_space<vmem>>, vector<128x32xf32>
    %get3A_76 = arith.constant 0 : index
    %get3A_77 = arith.constant 0 : index
    %get3A_78 = vector.load %arg4[%get3A_76, %get3A_77] : memref<512x4xf32, #tpu.memory_space<vmem>>, vector<128x4xf32>
    %sub3A = arith.subf %add3A_72, %get3A_75 : vector<128x32xf32>
    %mul3A_79 = arith.mulf %sub3A, %sub3A : vector<128x32xf32>
    %neg3A = arith.constant 0.000000e+00 : f32
    %neg3A_80 = vector.broadcast %neg3A : f32 to vector<128x32xf32>
    %neg3A_81 = arith.subf %neg3A_80, %mul3A_79 : vector<128x32xf32>
    %slice3A_82 = vector.extract_strided_slice %get3A_78 {offsets = [0, 0], sizes = [128, 1], strides = [1, 1]} : vector<128x4xf32> to vector<128x1xf32>
    %div3A = vector.broadcast %slice3A_82 : vector<128x1xf32> to vector<128x32xf32>
    %div3A_83 = arith.divf %neg3A_81, %div3A : vector<128x32xf32>
    %slice3A_84 = vector.extract_strided_slice %get3A_78 {offsets = [0, 1], sizes = [128, 1], strides = [1, 1]} : vector<128x4xf32> to vector<128x1xf32>
    %sub3A_85 = vector.broadcast %slice3A_84 : vector<128x1xf32> to vector<128x32xf32>
    %sub3A_86 = arith.subf %div3A_83, %sub3A_85 : vector<128x32xf32>
    %sub3A_87 = arith.constant 0.918938517 : f32
    %sub3A_88 = vector.broadcast %sub3A_87 : f32 to vector<128x32xf32>
    %sub3A_89 = arith.subf %sub3A_86, %sub3A_88 : vector<128x32xf32>
    %slice3A_90 = vector.extract_strided_slice %sub3A_89 {offsets = [0, 0], sizes = [128, 8], strides = [1, 1]} : vector<128x32xf32> to vector<128x8xf32>
    %slice3A_91 = vector.extract_strided_slice %slice3A_90 {offsets = [0, 0], sizes = [128, 4], strides = [1, 1]} : vector<128x8xf32> to vector<128x4xf32>
    %slice3A_92 = vector.extract_strided_slice %slice3A_90 {offsets = [0, 4], sizes = [128, 4], strides = [1, 1]} : vector<128x8xf32> to vector<128x4xf32>
    %add3A_93 = arith.addf %slice3A_91, %slice3A_92 : vector<128x4xf32>
    %slice3A_94 = vector.extract_strided_slice %add3A_93 {offsets = [0, 0], sizes = [128, 2], strides = [1, 1]} : vector<128x4xf32> to vector<128x2xf32>
    %slice3A_95 = vector.extract_strided_slice %add3A_93 {offsets = [0, 2], sizes = [128, 2], strides = [1, 1]} : vector<128x4xf32> to vector<128x2xf32>
    %add3A_96 = arith.addf %slice3A_94, %slice3A_95 : vector<128x2xf32>
    %slice3A_97 = vector.extract_strided_slice %add3A_96 {offsets = [0, 0], sizes = [128, 1], strides = [1, 1]} : vector<128x2xf32> to vector<128x1xf32>
    %slice3A_98 = vector.extract_strided_slice %add3A_96 {offsets = [0, 1], sizes = [128, 1], strides = [1, 1]} : vector<128x2xf32> to vector<128x1xf32>
    %add3A_99 = arith.addf %slice3A_97, %slice3A_98 : vector<128x1xf32>
    %slice3A_100 = vector.extract_strided_slice %sub3A_89 {offsets = [0, 8], sizes = [128, 8], strides = [1, 1]} : vector<128x32xf32> to vector<128x8xf32>
    %slice3A_101 = vector.extract_strided_slice %slice3A_100 {offsets = [0, 0], sizes = [128, 4], strides = [1, 1]} : vector<128x8xf32> to vector<128x4xf32>
    %slice3A_102 = vector.extract_strided_slice %slice3A_100 {offsets = [0, 4], sizes = [128, 4], strides = [1, 1]} : vector<128x8xf32> to vector<128x4xf32>
    %add3A_103 = arith.addf %slice3A_101, %slice3A_102 : vector<128x4xf32>
    %slice3A_104 = vector.extract_strided_slice %add3A_103 {offsets = [0, 0], sizes = [128, 2], strides = [1, 1]} : vector<128x4xf32> to vector<128x2xf32>
    %slice3A_105 = vector.extract_strided_slice %add3A_103 {offsets = [0, 2], sizes = [128, 2], strides = [1, 1]} : vector<128x4xf32> to vector<128x2xf32>
    %add3A_106 = arith.addf %slice3A_104, %slice3A_105 : vector<128x2xf32>
    %slice3A_107 = vector.extract_strided_slice %add3A_106 {offsets = [0, 0], sizes = [128, 1], strides = [1, 1]} : vector<128x2xf32> to vector<128x1xf32>
    %slice3A_108 = vector.extract_strided_slice %add3A_106 {offsets = [0, 1], sizes = [128, 1], strides = [1, 1]} : vector<128x2xf32> to vector<128x1xf32>
    %add3A_109 = arith.addf %slice3A_107, %slice3A_108 : vector<128x1xf32>
    %slice3A_110 = vector.extract_strided_slice %sub3A_89 {offsets = [0, 16], sizes = [128, 8], strides = [1, 1]} : vector<128x32xf32> to vector<128x8xf32>
    %slice3A_111 = vector.extract_strided_slice %slice3A_110 {offsets = [0, 0], sizes = [128, 4], strides = [1, 1]} : vector<128x8xf32> to vector<128x4xf32>
    %slice3A_112 = vector.extract_strided_slice %slice3A_110 {offsets = [0, 4], sizes = [128, 4], strides = [1, 1]} : vector<128x8xf32> to vector<128x4xf32>
    %add3A_113 = arith.addf %slice3A_111, %slice3A_112 : vector<128x4xf32>
    %slice3A_114 = vector.extract_strided_slice %add3A_113 {offsets = [0, 0], sizes = [128, 2], strides = [1, 1]} : vector<128x4xf32> to vector<128x2xf32>
    %slice3A_115 = vector.extract_strided_slice %add3A_113 {offsets = [0, 2], sizes = [128, 2], strides = [1, 1]} : vector<128x4xf32> to vector<128x2xf32>
    %add3A_116 = arith.addf %slice3A_114, %slice3A_115 : vector<128x2xf32>
    %slice3A_117 = vector.extract_strided_slice %add3A_116 {offsets = [0, 0], sizes = [128, 1], strides = [1, 1]} : vector<128x2xf32> to vector<128x1xf32>
    %slice3A_118 = vector.extract_strided_slice %add3A_116 {offsets = [0, 1], sizes = [128, 1], strides = [1, 1]} : vector<128x2xf32> to vector<128x1xf32>
    %add3A_119 = arith.addf %slice3A_117, %slice3A_118 : vector<128x1xf32>
    %slice3A_120 = vector.extract_strided_slice %sub3A_89 {offsets = [0, 24], sizes = [128, 8], strides = [1, 1]} : vector<128x32xf32> to vector<128x8xf32>
    %slice3A_121 = vector.extract_strided_slice %slice3A_120 {offsets = [0, 0], sizes = [128, 4], strides = [1, 1]} : vector<128x8xf32> to vector<128x4xf32>
    %slice3A_122 = vector.extract_strided_slice %slice3A_120 {offsets = [0, 4], sizes = [128, 4], strides = [1, 1]} : vector<128x8xf32> to vector<128x4xf32>
    %add3A_123 = arith.addf %slice3A_121, %slice3A_122 : vector<128x4xf32>
    %slice3A_124 = vector.extract_strided_slice %add3A_123 {offsets = [0, 0], sizes = [128, 2], strides = [1, 1]} : vector<128x4xf32> to vector<128x2xf32>
    %slice3A_125 = vector.extract_strided_slice %add3A_123 {offsets = [0, 2], sizes = [128, 2], strides = [1, 1]} : vector<128x4xf32> to vector<128x2xf32>
    %add3A_126 = arith.addf %slice3A_124, %slice3A_125 : vector<128x2xf32>
    %slice3A_127 = vector.extract_strided_slice %add3A_126 {offsets = [0, 0], sizes = [128, 1], strides = [1, 1]} : vector<128x2xf32> to vector<128x1xf32>
    %slice3A_128 = vector.extract_strided_slice %add3A_126 {offsets = [0, 1], sizes = [128, 1], strides = [1, 1]} : vector<128x2xf32> to vector<128x1xf32>
    %add3A_129 = arith.addf %slice3A_127, %slice3A_128 : vector<128x1xf32>
    %add3A_130 = arith.addf %add3A_99, %add3A_109 : vector<128x1xf32>
    %add3A_131 = arith.addf %add3A_130, %add3A_119 : vector<128x1xf32>
    %add3A_132 = arith.addf %add3A_131, %add3A_129 : vector<128x1xf32>
    %slice3A_133 = vector.extract_strided_slice %get3A_78 {offsets = [0, 2], sizes = [128, 1], strides = [1, 1]} : vector<128x4xf32> to vector<128x1xf32>
    %add3A_134 = arith.addf %add3A_132, %slice3A_133 : vector<128x1xf32>
    %get3A_135 = arith.constant 0 : index
    %get3A_136 = arith.constant 0 : index
    %get3A_137 = vector.load %arg5[%get3A_135, %get3A_136] : memref<512x1xi32, #tpu.memory_space<vmem>>, vector<128x1xi32>
    %get3A_138 = arith.constant 0 : index
    %get3A_139 = arith.constant 0 : index
    %get3A_140 = vector.load %arg3[%get3A_138, %get3A_139] : memref<512x32xf32, #tpu.memory_space<vmem>>, vector<128x32xf32>
    %get3A_141 = arith.constant 128 : index
    %get3A_142 = arith.constant 0 : index
    %get3A_143 = vector.load %arg2[%get3A_141, %get3A_142] : memref<512x32xf32, #tpu.memory_space<vmem>>, vector<128x32xf32>
    %get3A_144 = arith.constant 128 : index
    %get3A_145 = arith.constant 0 : index
    %get3A_146 = vector.load %arg4[%get3A_144, %get3A_145] : memref<512x4xf32, #tpu.memory_space<vmem>>, vector<128x4xf32>
    %sub3A_147 = arith.subf %add3A_72, %get3A_143 : vector<128x32xf32>
    %mul3A_148 = arith.mulf %sub3A_147, %sub3A_147 : vector<128x32xf32>
    %neg3A_149 = arith.constant 0.000000e+00 : f32
    %neg3A_150 = vector.broadcast %neg3A_149 : f32 to vector<128x32xf32>
    %neg3A_151 = arith.subf %neg3A_150, %mul3A_148 : vector<128x32xf32>
    %slice3A_152 = vector.extract_strided_slice %get3A_146 {offsets = [0, 0], sizes = [128, 1], strides = [1, 1]} : vector<128x4xf32> to vector<128x1xf32>
    %div3A_153 = vector.broadcast %slice3A_152 : vector<128x1xf32> to vector<128x32xf32>
    %div3A_154 = arith.divf %neg3A_151, %div3A_153 : vector<128x32xf32>
    %slice3A_155 = vector.extract_strided_slice %get3A_146 {offsets = [0, 1], sizes = [128, 1], strides = [1, 1]} : vector<128x4xf32> to vector<128x1xf32>
    %sub3A_156 = vector.broadcast %slice3A_155 : vector<128x1xf32> to vector<128x32xf32>
    %sub3A_157 = arith.subf %div3A_154, %sub3A_156 : vector<128x32xf32>
    %sub3A_158 = arith.constant 0.918938517 : f32
    %sub3A_159 = vector.broadcast %sub3A_158 : f32 to vector<128x32xf32>
    %sub3A_160 = arith.subf %sub3A_157, %sub3A_159 : vector<128x32xf32>
    %slice3A_161 = vector.extract_strided_slice %sub3A_160 {offsets = [0, 0], sizes = [128, 8], strides = [1, 1]} : vector<128x32xf32> to vector<128x8xf32>
    %slice3A_162 = vector.extract_strided_slice %slice3A_161 {offsets = [0, 0], sizes = [128, 4], strides = [1, 1]} : vector<128x8xf32> to vector<128x4xf32>
    %slice3A_163 = vector.extract_strided_slice %slice3A_161 {offsets = [0, 4], sizes = [128, 4], strides = [1, 1]} : vector<128x8xf32> to vector<128x4xf32>
    %add3A_164 = arith.addf %slice3A_162, %slice3A_163 : vector<128x4xf32>
    %slice3A_165 = vector.extract_strided_slice %add3A_164 {offsets = [0, 0], sizes = [128, 2], strides = [1, 1]} : vector<128x4xf32> to vector<128x2xf32>
    %slice3A_166 = vector.extract_strided_slice %add3A_164 {offsets = [0, 2], sizes = [128, 2], strides = [1, 1]} : vector<128x4xf32> to vector<128x2xf32>
    %add3A_167 = arith.addf %slice3A_165, %slice3A_166 : vector<128x2xf32>
    %slice3A_168 = vector.extract_strided_slice %add3A_167 {offsets = [0, 0], sizes = [128, 1], strides = [1, 1]} : vector<128x2xf32> to vector<128x1xf32>
    %slice3A_169 = vector.extract_strided_slice %add3A_167 {offsets = [0, 1], sizes = [128, 1], strides = [1, 1]} : vector<128x2xf32> to vector<128x1xf32>
    %add3A_170 = arith.addf %slice3A_168, %slice3A_169 : vector<128x1xf32>
    %slice3A_171 = vector.extract_strided_slice %sub3A_160 {offsets = [0, 8], sizes = [128, 8], strides = [1, 1]} : vector<128x32xf32> to vector<128x8xf32>
    %slice3A_172 = vector.extract_strided_slice %slice3A_171 {offsets = [0, 0], sizes = [128, 4], strides = [1, 1]} : vector<128x8xf32> to vector<128x4xf32>
    %slice3A_173 = vector.extract_strided_slice %slice3A_171 {offsets = [0, 4], sizes = [128, 4], strides = [1, 1]} : vector<128x8xf32> to vector<128x4xf32>
    %add3A_174 = arith.addf %slice3A_172, %slice3A_173 : vector<128x4xf32>
    %slice3A_175 = vector.extract_strided_slice %add3A_174 {offsets = [0, 0], sizes = [128, 2], strides = [1, 1]} : vector<128x4xf32> to vector<128x2xf32>
    %slice3A_176 = vector.extract_strided_slice %add3A_174 {offsets = [0, 2], sizes = [128, 2], strides = [1, 1]} : vector<128x4xf32> to vector<128x2xf32>
    %add3A_177 = arith.addf %slice3A_175, %slice3A_176 : vector<128x2xf32>
    %slice3A_178 = vector.extract_strided_slice %add3A_177 {offsets = [0, 0], sizes = [128, 1], strides = [1, 1]} : vector<128x2xf32> to vector<128x1xf32>
    %slice3A_179 = vector.extract_strided_slice %add3A_177 {offsets = [0, 1], sizes = [128, 1], strides = [1, 1]} : vector<128x2xf32> to vector<128x1xf32>
    %add3A_180 = arith.addf %slice3A_178, %slice3A_179 : vector<128x1xf32>
    %slice3A_181 = vector.extract_strided_slice %sub3A_160 {offsets = [0, 16], sizes = [128, 8], strides = [1, 1]} : vector<128x32xf32> to vector<128x8xf32>
    %slice3A_182 = vector.extract_strided_slice %slice3A_181 {offsets = [0, 0], sizes = [128, 4], strides = [1, 1]} : vector<128x8xf32> to vector<128x4xf32>
    %slice3A_183 = vector.extract_strided_slice %slice3A_181 {offsets = [0, 4], sizes = [128, 4], strides = [1, 1]} : vector<128x8xf32> to vector<128x4xf32>
    %add3A_184 = arith.addf %slice3A_182, %slice3A_183 : vector<128x4xf32>
    %slice3A_185 = vector.extract_strided_slice %add3A_184 {offsets = [0, 0], sizes = [128, 2], strides = [1, 1]} : vector<128x4xf32> to vector<128x2xf32>
    %slice3A_186 = vector.extract_strided_slice %add3A_184 {offsets = [0, 2], sizes = [128, 2], strides = [1, 1]} : vector<128x4xf32> to vector<128x2xf32>
    %add3A_187 = arith.addf %slice3A_185, %slice3A_186 : vector<128x2xf32>
    %slice3A_188 = vector.extract_strided_slice %add3A_187 {offsets = [0, 0], sizes = [128, 1], strides = [1, 1]} : vector<128x2xf32> to vector<128x1xf32>
    %slice3A_189 = vector.extract_strided_slice %add3A_187 {offsets = [0, 1], sizes = [128, 1], strides = [1, 1]} : vector<128x2xf32> to vector<128x1xf32>
    %add3A_190 = arith.addf %slice3A_188, %slice3A_189 : vector<128x1xf32>
    %slice3A_191 = vector.extract_strided_slice %sub3A_160 {offsets = [0, 24], sizes = [128, 8], strides = [1, 1]} : vector<128x32xf32> to vector<128x8xf32>
    %slice3A_192 = vector.extract_strided_slice %slice3A_191 {offsets = [0, 0], sizes = [128, 4], strides = [1, 1]} : vector<128x8xf32> to vector<128x4xf32>
    %slice3A_193 = vector.extract_strided_slice %slice3A_191 {offsets = [0, 4], sizes = [128, 4], strides = [1, 1]} : vector<128x8xf32> to vector<128x4xf32>
    %add3A_194 = arith.addf %slice3A_192, %slice3A_193 : vector<128x4xf32>
    %slice3A_195 = vector.extract_strided_slice %add3A_194 {offsets = [0, 0], sizes = [128, 2], strides = [1, 1]} : vector<128x4xf32> to vector<128x2xf32>
    %slice3A_196 = vector.extract_strided_slice %add3A_194 {offsets = [0, 2], sizes = [128, 2], strides = [1, 1]} : vector<128x4xf32> to vector<128x2xf32>
    %add3A_197 = arith.addf %slice3A_195, %slice3A_196 : vector<128x2xf32>
    %slice3A_198 = vector.extract_strided_slice %add3A_197 {offsets = [0, 0], sizes = [128, 1], strides = [1, 1]} : vector<128x2xf32> to vector<128x1xf32>
    %slice3A_199 = vector.extract_strided_slice %add3A_197 {offsets = [0, 1], sizes = [128, 1], strides = [1, 1]} : vector<128x2xf32> to vector<128x1xf32>
    %add3A_200 = arith.addf %slice3A_198, %slice3A_199 : vector<128x1xf32>
    %add3A_201 = arith.addf %add3A_170, %add3A_180 : vector<128x1xf32>
    %add3A_202 = arith.addf %add3A_201, %add3A_190 : vector<128x1xf32>
    %add3A_203 = arith.addf %add3A_202, %add3A_200 : vector<128x1xf32>
    %slice3A_204 = vector.extract_strided_slice %get3A_146 {offsets = [0, 2], sizes = [128, 1], strides = [1, 1]} : vector<128x4xf32> to vector<128x1xf32>
    %add3A_205 = arith.addf %add3A_203, %slice3A_204 : vector<128x1xf32>
    %get3A_206 = arith.constant 128 : index
    %get3A_207 = arith.constant 0 : index
    %get3A_208 = vector.load %arg5[%get3A_206, %get3A_207] : memref<512x1xi32, #tpu.memory_space<vmem>>, vector<128x1xi32>
    %get3A_209 = arith.constant 128 : index
    %get3A_210 = arith.constant 0 : index
    %get3A_211 = vector.load %arg3[%get3A_209, %get3A_210] : memref<512x32xf32, #tpu.memory_space<vmem>>, vector<128x32xf32>
    %gt3A = arith.cmpf ogt, %add3A_205, %add3A_134 : vector<128x1xf32>
    %eq3A_212 = arith.cmpf oeq, %add3A_205, %add3A_134 : vector<128x1xf32>
    %lt3A = arith.cmpi slt, %get3A_208, %get3A_137 : vector<128x1xi32>
    %and3A = arith.andi %eq3A_212, %lt3A : vector<128x1xi1>
    %or3A = arith.ori %gt3A, %and3A : vector<128x1xi1>
    %select_n3A = arith.select %or3A, %add3A_205, %add3A_134 : vector<128x1xi1>, vector<128x1xf32>
    %select_n3A_213 = arith.select %or3A, %get3A_208, %get3A_137 : vector<128x1xi1>, vector<128x1xi32>
    %broadcast_in_dim3A_214 = vector.shape_cast %or3A : vector<128x1xi1> to vector<128x1xi1>
    %broadcast_in_dim3A_215 = vector.broadcast %broadcast_in_dim3A_214 : vector<128x1xi1> to vector<128x32xi1>
    %select_n3A_216 = arith.select %broadcast_in_dim3A_215, %get3A_211, %get3A_140 : vector<128x32xi1>, vector<128x32xf32>
    %get3A_217 = arith.constant 256 : index
    %get3A_218 = arith.constant 0 : index
    %get3A_219 = vector.load %arg2[%get3A_217, %get3A_218] : memref<512x32xf32, #tpu.memory_space<vmem>>, vector<128x32xf32>
    %get3A_220 = arith.constant 256 : index
    %get3A_221 = arith.constant 0 : index
    %get3A_222 = vector.load %arg4[%get3A_220, %get3A_221] : memref<512x4xf32, #tpu.memory_space<vmem>>, vector<128x4xf32>
    %sub3A_223 = arith.subf %add3A_72, %get3A_219 : vector<128x32xf32>
    %mul3A_224 = arith.mulf %sub3A_223, %sub3A_223 : vector<128x32xf32>
    %neg3A_225 = arith.constant 0.000000e+00 : f32
    %neg3A_226 = vector.broadcast %neg3A_225 : f32 to vector<128x32xf32>
    %neg3A_227 = arith.subf %neg3A_226, %mul3A_224 : vector<128x32xf32>
    %slice3A_228 = vector.extract_strided_slice %get3A_222 {offsets = [0, 0], sizes = [128, 1], strides = [1, 1]} : vector<128x4xf32> to vector<128x1xf32>
    %div3A_229 = vector.broadcast %slice3A_228 : vector<128x1xf32> to vector<128x32xf32>
    %div3A_230 = arith.divf %neg3A_227, %div3A_229 : vector<128x32xf32>
    %slice3A_231 = vector.extract_strided_slice %get3A_222 {offsets = [0, 1], sizes = [128, 1], strides = [1, 1]} : vector<128x4xf32> to vector<128x1xf32>
    %sub3A_232 = vector.broadcast %slice3A_231 : vector<128x1xf32> to vector<128x32xf32>
    %sub3A_233 = arith.subf %div3A_230, %sub3A_232 : vector<128x32xf32>
    %sub3A_234 = arith.constant 0.918938517 : f32
    %sub3A_235 = vector.broadcast %sub3A_234 : f32 to vector<128x32xf32>
    %sub3A_236 = arith.subf %sub3A_233, %sub3A_235 : vector<128x32xf32>
    %slice3A_237 = vector.extract_strided_slice %sub3A_236 {offsets = [0, 0], sizes = [128, 8], strides = [1, 1]} : vector<128x32xf32> to vector<128x8xf32>
    %slice3A_238 = vector.extract_strided_slice %slice3A_237 {offsets = [0, 0], sizes = [128, 4], strides = [1, 1]} : vector<128x8xf32> to vector<128x4xf32>
    %slice3A_239 = vector.extract_strided_slice %slice3A_237 {offsets = [0, 4], sizes = [128, 4], strides = [1, 1]} : vector<128x8xf32> to vector<128x4xf32>
    %add3A_240 = arith.addf %slice3A_238, %slice3A_239 : vector<128x4xf32>
    %slice3A_241 = vector.extract_strided_slice %add3A_240 {offsets = [0, 0], sizes = [128, 2], strides = [1, 1]} : vector<128x4xf32> to vector<128x2xf32>
    %slice3A_242 = vector.extract_strided_slice %add3A_240 {offsets = [0, 2], sizes = [128, 2], strides = [1, 1]} : vector<128x4xf32> to vector<128x2xf32>
    %add3A_243 = arith.addf %slice3A_241, %slice3A_242 : vector<128x2xf32>
    %slice3A_244 = vector.extract_strided_slice %add3A_243 {offsets = [0, 0], sizes = [128, 1], strides = [1, 1]} : vector<128x2xf32> to vector<128x1xf32>
    %slice3A_245 = vector.extract_strided_slice %add3A_243 {offsets = [0, 1], sizes = [128, 1], strides = [1, 1]} : vector<128x2xf32> to vector<128x1xf32>
    %add3A_246 = arith.addf %slice3A_244, %slice3A_245 : vector<128x1xf32>
    %slice3A_247 = vector.extract_strided_slice %sub3A_236 {offsets = [0, 8], sizes = [128, 8], strides = [1, 1]} : vector<128x32xf32> to vector<128x8xf32>
    %slice3A_248 = vector.extract_strided_slice %slice3A_247 {offsets = [0, 0], sizes = [128, 4], strides = [1, 1]} : vector<128x8xf32> to vector<128x4xf32>
    %slice3A_249 = vector.extract_strided_slice %slice3A_247 {offsets = [0, 4], sizes = [128, 4], strides = [1, 1]} : vector<128x8xf32> to vector<128x4xf32>
    %add3A_250 = arith.addf %slice3A_248, %slice3A_249 : vector<128x4xf32>
    %slice3A_251 = vector.extract_strided_slice %add3A_250 {offsets = [0, 0], sizes = [128, 2], strides = [1, 1]} : vector<128x4xf32> to vector<128x2xf32>
    %slice3A_252 = vector.extract_strided_slice %add3A_250 {offsets = [0, 2], sizes = [128, 2], strides = [1, 1]} : vector<128x4xf32> to vector<128x2xf32>
    %add3A_253 = arith.addf %slice3A_251, %slice3A_252 : vector<128x2xf32>
    %slice3A_254 = vector.extract_strided_slice %add3A_253 {offsets = [0, 0], sizes = [128, 1], strides = [1, 1]} : vector<128x2xf32> to vector<128x1xf32>
    %slice3A_255 = vector.extract_strided_slice %add3A_253 {offsets = [0, 1], sizes = [128, 1], strides = [1, 1]} : vector<128x2xf32> to vector<128x1xf32>
    %add3A_256 = arith.addf %slice3A_254, %slice3A_255 : vector<128x1xf32>
    %slice3A_257 = vector.extract_strided_slice %sub3A_236 {offsets = [0, 16], sizes = [128, 8], strides = [1, 1]} : vector<128x32xf32> to vector<128x8xf32>
    %slice3A_258 = vector.extract_strided_slice %slice3A_257 {offsets = [0, 0], sizes = [128, 4], strides = [1, 1]} : vector<128x8xf32> to vector<128x4xf32>
    %slice3A_259 = vector.extract_strided_slice %slice3A_257 {offsets = [0, 4], sizes = [128, 4], strides = [1, 1]} : vector<128x8xf32> to vector<128x4xf32>
    %add3A_260 = arith.addf %slice3A_258, %slice3A_259 : vector<128x4xf32>
    %slice3A_261 = vector.extract_strided_slice %add3A_260 {offsets = [0, 0], sizes = [128, 2], strides = [1, 1]} : vector<128x4xf32> to vector<128x2xf32>
    %slice3A_262 = vector.extract_strided_slice %add3A_260 {offsets = [0, 2], sizes = [128, 2], strides = [1, 1]} : vector<128x4xf32> to vector<128x2xf32>
    %add3A_263 = arith.addf %slice3A_261, %slice3A_262 : vector<128x2xf32>
    %slice3A_264 = vector.extract_strided_slice %add3A_263 {offsets = [0, 0], sizes = [128, 1], strides = [1, 1]} : vector<128x2xf32> to vector<128x1xf32>
    %slice3A_265 = vector.extract_strided_slice %add3A_263 {offsets = [0, 1], sizes = [128, 1], strides = [1, 1]} : vector<128x2xf32> to vector<128x1xf32>
    %add3A_266 = arith.addf %slice3A_264, %slice3A_265 : vector<128x1xf32>
    %slice3A_267 = vector.extract_strided_slice %sub3A_236 {offsets = [0, 24], sizes = [128, 8], strides = [1, 1]} : vector<128x32xf32> to vector<128x8xf32>
    %slice3A_268 = vector.extract_strided_slice %slice3A_267 {offsets = [0, 0], sizes = [128, 4], strides = [1, 1]} : vector<128x8xf32> to vector<128x4xf32>
    %slice3A_269 = vector.extract_strided_slice %slice3A_267 {offsets = [0, 4], sizes = [128, 4], strides = [1, 1]} : vector<128x8xf32> to vector<128x4xf32>
    %add3A_270 = arith.addf %slice3A_268, %slice3A_269 : vector<128x4xf32>
    %slice3A_271 = vector.extract_strided_slice %add3A_270 {offsets = [0, 0], sizes = [128, 2], strides = [1, 1]} : vector<128x4xf32> to vector<128x2xf32>
    %slice3A_272 = vector.extract_strided_slice %add3A_270 {offsets = [0, 2], sizes = [128, 2], strides = [1, 1]} : vector<128x4xf32> to vector<128x2xf32>
    %add3A_273 = arith.addf %slice3A_271, %slice3A_272 : vector<128x2xf32>
    %slice3A_274 = vector.extract_strided_slice %add3A_273 {offsets = [0, 0], sizes = [128, 1], strides = [1, 1]} : vector<128x2xf32> to vector<128x1xf32>
    %slice3A_275 = vector.extract_strided_slice %add3A_273 {offsets = [0, 1], sizes = [128, 1], strides = [1, 1]} : vector<128x2xf32> to vector<128x1xf32>
    %add3A_276 = arith.addf %slice3A_274, %slice3A_275 : vector<128x1xf32>
    %add3A_277 = arith.addf %add3A_246, %add3A_256 : vector<128x1xf32>
    %add3A_278 = arith.addf %add3A_277, %add3A_266 : vector<128x1xf32>
    %add3A_279 = arith.addf %add3A_278, %add3A_276 : vector<128x1xf32>
    %slice3A_280 = vector.extract_strided_slice %get3A_222 {offsets = [0, 2], sizes = [128, 1], strides = [1, 1]} : vector<128x4xf32> to vector<128x1xf32>
    %add3A_281 = arith.addf %add3A_279, %slice3A_280 : vector<128x1xf32>
    %get3A_282 = arith.constant 256 : index
    %get3A_283 = arith.constant 0 : index
    %get3A_284 = vector.load %arg5[%get3A_282, %get3A_283] : memref<512x1xi32, #tpu.memory_space<vmem>>, vector<128x1xi32>
    %get3A_285 = arith.constant 256 : index
    %get3A_286 = arith.constant 0 : index
    %get3A_287 = vector.load %arg3[%get3A_285, %get3A_286] : memref<512x32xf32, #tpu.memory_space<vmem>>, vector<128x32xf32>
    %gt3A_288 = arith.cmpf ogt, %add3A_281, %select_n3A : vector<128x1xf32>
    %eq3A_289 = arith.cmpf oeq, %add3A_281, %select_n3A : vector<128x1xf32>
    %lt3A_290 = arith.cmpi slt, %get3A_284, %select_n3A_213 : vector<128x1xi32>
    %and3A_291 = arith.andi %eq3A_289, %lt3A_290 : vector<128x1xi1>
    %or3A_292 = arith.ori %gt3A_288, %and3A_291 : vector<128x1xi1>
    %select_n3A_293 = arith.select %or3A_292, %add3A_281, %select_n3A : vector<128x1xi1>, vector<128x1xf32>
    %select_n3A_294 = arith.select %or3A_292, %get3A_284, %select_n3A_213 : vector<128x1xi1>, vector<128x1xi32>
    %broadcast_in_dim3A_295 = vector.shape_cast %or3A_292 : vector<128x1xi1> to vector<128x1xi1>
    %broadcast_in_dim3A_296 = vector.broadcast %broadcast_in_dim3A_295 : vector<128x1xi1> to vector<128x32xi1>
    %select_n3A_297 = arith.select %broadcast_in_dim3A_296, %get3A_287, %select_n3A_216 : vector<128x32xi1>, vector<128x32xf32>
    %get3A_298 = arith.constant 384 : index
    %get3A_299 = arith.constant 0 : index
    %get3A_300 = vector.load %arg2[%get3A_298, %get3A_299] : memref<512x32xf32, #tpu.memory_space<vmem>>, vector<128x32xf32>
    %get3A_301 = arith.constant 384 : index
    %get3A_302 = arith.constant 0 : index
    %get3A_303 = vector.load %arg4[%get3A_301, %get3A_302] : memref<512x4xf32, #tpu.memory_space<vmem>>, vector<128x4xf32>
    %sub3A_304 = arith.subf %add3A_72, %get3A_300 : vector<128x32xf32>
    %mul3A_305 = arith.mulf %sub3A_304, %sub3A_304 : vector<128x32xf32>
    %neg3A_306 = arith.constant 0.000000e+00 : f32
    %neg3A_307 = vector.broadcast %neg3A_306 : f32 to vector<128x32xf32>
    %neg3A_308 = arith.subf %neg3A_307, %mul3A_305 : vector<128x32xf32>
    %slice3A_309 = vector.extract_strided_slice %get3A_303 {offsets = [0, 0], sizes = [128, 1], strides = [1, 1]} : vector<128x4xf32> to vector<128x1xf32>
    %div3A_310 = vector.broadcast %slice3A_309 : vector<128x1xf32> to vector<128x32xf32>
    %div3A_311 = arith.divf %neg3A_308, %div3A_310 : vector<128x32xf32>
    %slice3A_312 = vector.extract_strided_slice %get3A_303 {offsets = [0, 1], sizes = [128, 1], strides = [1, 1]} : vector<128x4xf32> to vector<128x1xf32>
    %sub3A_313 = vector.broadcast %slice3A_312 : vector<128x1xf32> to vector<128x32xf32>
    %sub3A_314 = arith.subf %div3A_311, %sub3A_313 : vector<128x32xf32>
    %sub3A_315 = arith.constant 0.918938517 : f32
    %sub3A_316 = vector.broadcast %sub3A_315 : f32 to vector<128x32xf32>
    %sub3A_317 = arith.subf %sub3A_314, %sub3A_316 : vector<128x32xf32>
    %slice3A_318 = vector.extract_strided_slice %sub3A_317 {offsets = [0, 0], sizes = [128, 8], strides = [1, 1]} : vector<128x32xf32> to vector<128x8xf32>
    %slice3A_319 = vector.extract_strided_slice %slice3A_318 {offsets = [0, 0], sizes = [128, 4], strides = [1, 1]} : vector<128x8xf32> to vector<128x4xf32>
    %slice3A_320 = vector.extract_strided_slice %slice3A_318 {offsets = [0, 4], sizes = [128, 4], strides = [1, 1]} : vector<128x8xf32> to vector<128x4xf32>
    %add3A_321 = arith.addf %slice3A_319, %slice3A_320 : vector<128x4xf32>
    %slice3A_322 = vector.extract_strided_slice %add3A_321 {offsets = [0, 0], sizes = [128, 2], strides = [1, 1]} : vector<128x4xf32> to vector<128x2xf32>
    %slice3A_323 = vector.extract_strided_slice %add3A_321 {offsets = [0, 2], sizes = [128, 2], strides = [1, 1]} : vector<128x4xf32> to vector<128x2xf32>
    %add3A_324 = arith.addf %slice3A_322, %slice3A_323 : vector<128x2xf32>
    %slice3A_325 = vector.extract_strided_slice %add3A_324 {offsets = [0, 0], sizes = [128, 1], strides = [1, 1]} : vector<128x2xf32> to vector<128x1xf32>
    %slice3A_326 = vector.extract_strided_slice %add3A_324 {offsets = [0, 1], sizes = [128, 1], strides = [1, 1]} : vector<128x2xf32> to vector<128x1xf32>
    %add3A_327 = arith.addf %slice3A_325, %slice3A_326 : vector<128x1xf32>
    %slice3A_328 = vector.extract_strided_slice %sub3A_317 {offsets = [0, 8], sizes = [128, 8], strides = [1, 1]} : vector<128x32xf32> to vector<128x8xf32>
    %slice3A_329 = vector.extract_strided_slice %slice3A_328 {offsets = [0, 0], sizes = [128, 4], strides = [1, 1]} : vector<128x8xf32> to vector<128x4xf32>
    %slice3A_330 = vector.extract_strided_slice %slice3A_328 {offsets = [0, 4], sizes = [128, 4], strides = [1, 1]} : vector<128x8xf32> to vector<128x4xf32>
    %add3A_331 = arith.addf %slice3A_329, %slice3A_330 : vector<128x4xf32>
    %slice3A_332 = vector.extract_strided_slice %add3A_331 {offsets = [0, 0], sizes = [128, 2], strides = [1, 1]} : vector<128x4xf32> to vector<128x2xf32>
    %slice3A_333 = vector.extract_strided_slice %add3A_331 {offsets = [0, 2], sizes = [128, 2], strides = [1, 1]} : vector<128x4xf32> to vector<128x2xf32>
    %add3A_334 = arith.addf %slice3A_332, %slice3A_333 : vector<128x2xf32>
    %slice3A_335 = vector.extract_strided_slice %add3A_334 {offsets = [0, 0], sizes = [128, 1], strides = [1, 1]} : vector<128x2xf32> to vector<128x1xf32>
    %slice3A_336 = vector.extract_strided_slice %add3A_334 {offsets = [0, 1], sizes = [128, 1], strides = [1, 1]} : vector<128x2xf32> to vector<128x1xf32>
    %add3A_337 = arith.addf %slice3A_335, %slice3A_336 : vector<128x1xf32>
    %slice3A_338 = vector.extract_strided_slice %sub3A_317 {offsets = [0, 16], sizes = [128, 8], strides = [1, 1]} : vector<128x32xf32> to vector<128x8xf32>
    %slice3A_339 = vector.extract_strided_slice %slice3A_338 {offsets = [0, 0], sizes = [128, 4], strides = [1, 1]} : vector<128x8xf32> to vector<128x4xf32>
    %slice3A_340 = vector.extract_strided_slice %slice3A_338 {offsets = [0, 4], sizes = [128, 4], strides = [1, 1]} : vector<128x8xf32> to vector<128x4xf32>
    %add3A_341 = arith.addf %slice3A_339, %slice3A_340 : vector<128x4xf32>
    %slice3A_342 = vector.extract_strided_slice %add3A_341 {offsets = [0, 0], sizes = [128, 2], strides = [1, 1]} : vector<128x4xf32> to vector<128x2xf32>
    %slice3A_343 = vector.extract_strided_slice %add3A_341 {offsets = [0, 2], sizes = [128, 2], strides = [1, 1]} : vector<128x4xf32> to vector<128x2xf32>
    %add3A_344 = arith.addf %slice3A_342, %slice3A_343 : vector<128x2xf32>
    %slice3A_345 = vector.extract_strided_slice %add3A_344 {offsets = [0, 0], sizes = [128, 1], strides = [1, 1]} : vector<128x2xf32> to vector<128x1xf32>
    %slice3A_346 = vector.extract_strided_slice %add3A_344 {offsets = [0, 1], sizes = [128, 1], strides = [1, 1]} : vector<128x2xf32> to vector<128x1xf32>
    %add3A_347 = arith.addf %slice3A_345, %slice3A_346 : vector<128x1xf32>
    %slice3A_348 = vector.extract_strided_slice %sub3A_317 {offsets = [0, 24], sizes = [128, 8], strides = [1, 1]} : vector<128x32xf32> to vector<128x8xf32>
    %slice3A_349 = vector.extract_strided_slice %slice3A_348 {offsets = [0, 0], sizes = [128, 4], strides = [1, 1]} : vector<128x8xf32> to vector<128x4xf32>
    %slice3A_350 = vector.extract_strided_slice %slice3A_348 {offsets = [0, 4], sizes = [128, 4], strides = [1, 1]} : vector<128x8xf32> to vector<128x4xf32>
    %add3A_351 = arith.addf %slice3A_349, %slice3A_350 : vector<128x4xf32>
    %slice3A_352 = vector.extract_strided_slice %add3A_351 {offsets = [0, 0], sizes = [128, 2], strides = [1, 1]} : vector<128x4xf32> to vector<128x2xf32>
    %slice3A_353 = vector.extract_strided_slice %add3A_351 {offsets = [0, 2], sizes = [128, 2], strides = [1, 1]} : vector<128x4xf32> to vector<128x2xf32>
    %add3A_354 = arith.addf %slice3A_352, %slice3A_353 : vector<128x2xf32>
    %slice3A_355 = vector.extract_strided_slice %add3A_354 {offsets = [0, 0], sizes = [128, 1], strides = [1, 1]} : vector<128x2xf32> to vector<128x1xf32>
    %slice3A_356 = vector.extract_strided_slice %add3A_354 {offsets = [0, 1], sizes = [128, 1], strides = [1, 1]} : vector<128x2xf32> to vector<128x1xf32>
    %add3A_357 = arith.addf %slice3A_355, %slice3A_356 : vector<128x1xf32>
    %add3A_358 = arith.addf %add3A_327, %add3A_337 : vector<128x1xf32>
    %add3A_359 = arith.addf %add3A_358, %add3A_347 : vector<128x1xf32>
    %add3A_360 = arith.addf %add3A_359, %add3A_357 : vector<128x1xf32>
    %slice3A_361 = vector.extract_strided_slice %get3A_303 {offsets = [0, 2], sizes = [128, 1], strides = [1, 1]} : vector<128x4xf32> to vector<128x1xf32>
    %add3A_362 = arith.addf %add3A_360, %slice3A_361 : vector<128x1xf32>
    %get3A_363 = arith.constant 384 : index
    %get3A_364 = arith.constant 0 : index
    %get3A_365 = vector.load %arg5[%get3A_363, %get3A_364] : memref<512x1xi32, #tpu.memory_space<vmem>>, vector<128x1xi32>
    %get3A_366 = arith.constant 384 : index
    %get3A_367 = arith.constant 0 : index
    %get3A_368 = vector.load %arg3[%get3A_366, %get3A_367] : memref<512x32xf32, #tpu.memory_space<vmem>>, vector<128x32xf32>
    %gt3A_369 = arith.cmpf ogt, %add3A_362, %select_n3A_293 : vector<128x1xf32>
    %eq3A_370 = arith.cmpf oeq, %add3A_362, %select_n3A_293 : vector<128x1xf32>
    %lt3A_371 = arith.cmpi slt, %get3A_365, %select_n3A_294 : vector<128x1xi32>
    %and3A_372 = arith.andi %eq3A_370, %lt3A_371 : vector<128x1xi1>
    %or3A_373 = arith.ori %gt3A_369, %and3A_372 : vector<128x1xi1>
    %broadcast_in_dim3A_374 = vector.shape_cast %or3A_373 : vector<128x1xi1> to vector<128x1xi1>
    %broadcast_in_dim3A_375 = vector.broadcast %broadcast_in_dim3A_374 : vector<128x1xi1> to vector<128x32xi1>
    %select_n3A_376 = arith.select %broadcast_in_dim3A_375, %get3A_368, %select_n3A_297 : vector<128x32xi1>, vector<128x32xf32>
    %swap3A = arith.constant 0 : index
    %swap3A_377 = arith.constant 0 : index
    %swap3A_378 = vector.load %arg6[%swap3A, %swap3A_377] : memref<128x32xf32, #tpu.memory_space<vmem>>, vector<128x32xf32>
    tpu.vector_store %arg6[%swap3A, %swap3A_377], %select_n3A_376 {strides = array<i32>} : memref<128x32xf32, #tpu.memory_space<vmem>>, vector<128x32xf32>,
    return
  }
}

</mosaic_0001>

<sc_bundles>
// kernel: scatter_offload_async_start
scs
__scs_entry_jumppad:
0x0: {  	(pc) =	sbr.rel $0x88, $3  }
0x1: {  	(tag) =	ssettag $0x0;
	lr =	simm.s32 $0x1  }
0x2: {  	[smem:$0x3F9D] =	sst lr;
	_ =	strace $0xD0000000  }
0x3: {  	_ = 	snop  }
0x4: {  	_ = 	snop  }
0x5: {  	_ = 	snop  }
0x6: {  	_ = 	snop  }
0x7: {  	_ = 	snop  }
__scs_overlays_trampoline_lowered:
0x8: {  	[smem:$0x3FAC] =	sst s0  }
0x9: {  	[smem:$0x3FAD] =	sst s1  }
0xa: {  	[smem:$0x3FAE] =	sst s2  }
0xb: {  	[smem:$0x3FAF] =	sst s3  }
0xc: {  	[smem:$0x3FB0] =	sst s4  }
0xd: {  	[smem:$0x3FB1] =	sst s5  }
0xe: {  	[smem:$0x3FB2] =	sst s6  }
0xf: {  	[smem:$0x3FB3] =	sst s7  }
0x10: {  	[smem:$0x3FB4] =	sst s8  }
0x11: {  	[smem:$0x3FB5] =	sst s9;
	s0 =	simm.s32 @!p0 $0x0  }
0x12: {  	s1 =	sld [smem:$0x3F9B];
	s0 =	simm.s32 @p0 $0x1  }
0x13: {  	[smem:$0x3FB6] =	sst s0;
	s0 =	simm.s32 @!p1 $0x0  }
0x14: {  	s2 =	sld [smem:$0x3F9A];
	s0 =	simm.s32 @p1 $0x1  }
0x15: {  	[smem:$0x3FB7] =	sst s0;
	s0 =	simm.s32 @!p2 $0x0  }
0x16: {  	s3 =	sld [smem:$0x3FDB];
	s0 =	simm.s32 @p2 $0x1  }
0x17: {  	s4 =	simm.s32 $0x1BF5;
	[smem:$0x3FB9] =	sst s0  }
0x18: {  	s0 =	sld [smem:$0x3F9C];
	_ =	swait.ge [sflag:s4], $0x0  }
0x19: {  	s7 =	sld [smem:$0x3F9D]  }
0x1a: {  	s8 =	sadd.s32 $0xFFFFE003, lr  }
0x1b: {  	s9 =	sadd.s32 $0xFFFFFEF7, lr;
	s5 =	simm.s32 $0xFFFFFFFF;
	p2 =	slt.u32 s8, $0xFFFFF086  }
0x1c: {  	p1 =	slt.u32 s9, $0xF7A;
	s5 =	simm.s32 @!p2 $0x0  }
0x1d: {  	s5 =	simm.s32 @p1 $0x1;
	p0 =	seq.s32 s7, s2  }
0x1e: {  	s7 =	smul.u32 @!p0 $0xF7A, s2;
	p2 =	seq.s32 @!p0 s5, $0x0  }
0x1f: {  	s9 =	smul.u32 $0xF7A, s1;
	s8 =	simm.s32 @!p0 $0x1BF5;
	p2 =	por !p2, p0  }
0x20: {  	[sflag:s8] =	ssyncset.s32 @!p0 $0xFFFFF086;
	s6 =	sadd.s32 @!p0 s3, s7;
	s7 =	simm.s32 @!p0 $0x108  }
0x21: {  	s3 =	sadd.s32 s3, s9;
	s6 =	sadd.s32 @!p0 $0x88, s6;
	s7 =	simm.s32 @p2 $0x1082  }
0x22: {  	[simem:s7], [sflag:s8] =	dma.local @!p0 [hbm:s6], $0xF7A  }
0x23: {  	s9 =	sor.u32 $0xD0000000, s2;
	s6 =	simm.s32 $0x108;
	_ =	swait.ge @!p0 [sflag:s8], $0x0  }
0x24: {  	s3 =	sadd.s32 $0x88, s3;
	s6 =	simm.s32 @!p1 $0x1082;
	[sflag:s4] =	ssyncset.s32 $0xFFFFF086  }
0x25: {  	[simem:s6], [sflag:s4] =	dma.local [hbm:s3], $0xF7A  }
0x26: {  	[smem:$0x3F9D] =	sst s1;
	(tag) =	ssettag s2;
	_ =	strace s9  }
0x27: {  	s1 =	sld [smem:$0x3FAD]  }
0x28: {  	s2 =	sld [smem:$0x3FAE]  }
0x29: {  	s4 =	sld [smem:$0x3FB0]  }
0x2a: {  	p0 =	seq.s32 s5, $0x0;
	s5 =	sld [smem:$0x3FB1]  }
0x2b: {  	s6 =	sld [smem:$0x3FB2]  }
0x2c: {  	s7 =	sld [smem:$0x3FB3]  }
0x2d: {  	s3 =	simm.s32 $0x108;
	s8 =	sld [smem:$0x3FB4]  }
0x2e: {  	s3 =	simm.s32 @!p0 $0x1082;
	s9 =	sld [smem:$0x3FB5]  }
0x2f: {  	lr =	sadd.s32 s0, s3;
	s0 =	sld [smem:$0x3FAC]  }
0x30: {  	s3 =	sld [smem:$0x3FAF]  }
0x31: {  	[smem:$0x3FB8] =	sst s10  }
0x32: {  	s10 =	sld [smem:$0x3FB6];
	_ =	sdelay $0x3  }
0x33: {  	p0 =	seq.s32 s10, $0x1;
	s10 =	sld [smem:$0x3FB8];
	_ =	sdelay $0x3  }
0x34: {  	[smem:$0x3FB8] =	sst s10  }
0x35: {  	s10 =	sld [smem:$0x3FB7];
	_ =	sdelay $0x3  }
0x36: {  	p1 =	seq.s32 s10, $0x1;
	s10 =	sld [smem:$0x3FB8];
	_ =	sdelay $0x3  }
0x37: {  	[smem:$0x3FB8] =	sst s10  }
0x38: {  	s10 =	sld [smem:$0x3FB9]  }
0x39: {  	_ = 	snop;
	(pc) =	sbr.ind lr, $3  }
0x3a: {  	_ = 	snop  }
0x3b: {  	_ = 	snop  }
0x3c: {  	p2 =	seq.s32 s10, $0x1;
	s10 =	sld [smem:$0x3FB8]  }
0x3d: {  	_ =	shalt  }
0x3e: {  	_ =	shalt  }
0x3f: {  	_ =	shalt  }
0x40: {  	_ =	shalt  }
0x41: {  	_ =	shalt  }
0x42: {  	_ =	shalt  }
0x43: {  	_ =	shalt  }
0x44: {  	_ =	shalt  }
0x45: {  	_ =	shalt  }
0x46: {  	_ =	shalt  }
0x47: {  	_ =	shalt  }
0x48: {  	_ =	shalt  }
0x49: {  	_ =	shalt  }
0x4a: {  	_ =	shalt  }
0x4b: {  	_ =	shalt  }
0x4c: {  	_ =	shalt  }
0x4d: {  	_ =	shalt  }
0x4e: {  	_ =	shalt  }
0x4f: {  	_ =	shalt  }
0x50: {  	_ =	shalt  }
0x51: {  	_ =	shalt  }
0x52: {  	_ =	shalt  }
0x53: {  	_ =	shalt  }
0x54: {  	_ =	shalt  }
0x55: {  	_ =	shalt  }
0x56: {  	_ =	shalt  }
0x57: {  	_ =	shalt  }
0x58: {  	_ =	shalt  }
0x59: {  	_ =	shalt  }
0x5a: {  	_ =	shalt  }
0x5b: {  	_ =	shalt  }
0x5c: {  	_ =	shalt  }
0x5d: {  	_ =	shalt  }
0x5e: {  	_ =	shalt  }
0x5f: {  	_ =	shalt  }
0x60: {  	_ =	shalt  }
0x61: {  	_ =	shalt  }
0x62: {  	_ =	shalt  }
0x63: {  	_ =	shalt  }
0x64: {  	_ =	shalt  }
0x65: {  	_ =	shalt  }
0x66: {  	_ =	shalt  }
0x67: {  	_ =	shalt  }
0x68: {  	_ =	shalt  }
0x69: {  	_ =	shalt  }
0x6a: {  	_ =	shalt  }
0x6b: {  	_ =	shalt  }
0x6c: {  	_ =	shalt  }
0x6d: {  	_ =	shalt  }
0x6e: {  	_ =	shalt  }
0x6f: {  	_ =	shalt  }
0x70: {  	_ =	shalt  }
0x71: {  	_ =	shalt  }
0x72: {  	_ =	shalt  }
0x73: {  	_ =	shalt  }
0x74: {  	_ =	shalt  }
0x75: {  	_ =	shalt  }
0x76: {  	_ =	shalt  }
0x77: {  	_ =	shalt  }
0x78: {  	_ =	shalt  }
0x79: {  	_ =	shalt  }
0x7a: {  	_ =	shalt  }
0x7b: {  	_ =	shalt  }
0x7c: {  	_ =	shalt  }
0x7d: {  	_ =	shalt  }
0x7e: {  	_ =	shalt  }
0x7f: {  	_ =	shalt  }
0x80: {  	_ =	shalt  }
0x81: {  	_ =	shalt  }
0x82: {  	_ =	shalt  }
0x83: {  	_ =	shalt  }
0x84: {  	_ =	shalt  }
0x85: {  	_ =	shalt  }
0x86: {  	_ =	shalt  }
0x87: {  	_ =	shalt  }
.Lfunc_end0:
.L_simem_size_0:
called_computation_lowered:
.L_overlay_start_0:
0x88: {  	s0 =	sld [smem:$0x3FD9]  }
0x89: {  	s1 =	sld [smem:$0x3FFE];
	_ =	sdelay $0x3  }
0x8a: {  	s0 =	sadd.s32 s1, s0  }
0x8b: {  	[smem:$0x3FC4] =	sst s0  }
0x8c: {  	_ = 	snop  }
0x8d: {  	s0 =	sld [smem:$0x3FD0];
	_ =	sdelay $0x2  }
0x8e: {  	s13 =	simm.s32 $0xA;
	s2 =	simm.s32 $0x10  }
0x8f: {  	[smem:s2], [sflag:s13] =	dma.local [hbm:s0], $0x1  }
0x90: {  	_ =	swait.eq [sflag:s13], $0x1  }
0x91: {  	[sflag:s13] =	ssyncset.done $0x0  }
0x92: {  	[sflag:s13] =	ssyncadd.s32 $0xFFFFFFFF  }
0x93: {  	s14 =	sld [smem:$0x10];
	(tm) =	ssettm $0x1  }
0x94: {  	s15 =	sld [smem:$0x3FFB];
	_ =	sdelay $0x3  }
0x95: {  	_ =	strace s15  }
0x96: {  	s1 =	sld [smem:$0x3FFC];
	_ =	sdelay $0x3  }
0x97: {  	_ =	strace s1  }
0x98: {  	s1 =	sld [smem:$0x3FFD];
	_ =	sdelay $0x3  }
0x99: {  	_ =	strace s1  }
0x9a: {  	_ =	strace $0x8FFFFFFF  }
0x9b: {  	s16 =	sld [smem:$0x3FDB];
	_ =	sdelay $0x1  }
0x9c: {  	s17 =	simm.s32 $_scs_section_size  }
0x9d: {  	s3 =	simm.s32 $_size__tile_overlayer_lowered;
	s4 =	simm.s32 $_tile_overlayer_lowered  }
0x9e: {  	s20 =	simm.s32 $0x1BFF;
	s19 =	sshll.u32 s4, $0x1;
	s1 =	sadd.s32 s17, s16  }
0x9f: {  	s5 =	simm.s32 $0x0;
	s18 =	sshll.u32 s3, $0x1;
	s3 =	sadd.s32 s19, s1  }
0xa0: {  	[timem:s5], [sflag:s20] =	dma.local [hbm:s3], s18  }
0xa1: {  	_ =	swait.ge [sflag:s20], s18  }
0xa2: {  	s2 =	ssub.s32 $0x0, s18;
	[sflag:s20] =	ssyncset.done $0x0  }
0xa3: {  	[sflag:s20] =	ssyncadd.s32 s2;
	_ =	sdelay $0x1  }
0xa4: {  	s21 =	simm.s32 $0x1B8B  }
0xa5: {  	_ =	swait.ge [sflag:s21], $0x1  }
0xa6: {  	[sflag:s21] =	ssyncset.done $0x0  }
0xa7: {  	s23 =	simm.s32 $0x1B8E;
	s22 =	sld [smem:$0x3FFE];
	[sflag:s21] =	ssyncadd.s32 $0xFFFFFFFF  }
0xa8: {  	s24 =	simm.s32 $execute0_lowered;
	[smem:$0x3FD2] =	sst s23  }
0xa9: {  	s3 =	sshll.u32 s24, $0x1;
	_ =	strace $0x80000046;
	[dreg:$0x1] =	wrdreg $0xFFFFFFFF  }
0xaa: {  	s25 =	simm.s32 $_size_execute0_lowered;
	s1 =	sadd.s32 s1, s3;
	[dreg:$0x0] =	wrdreg $0x0  }
0xab: {  	s3 =	sshll.u32 s25, $0x1;
	[dreg:$0x2] =	wrdreg s1  }
0xac: {  	[dreg:$0x3] =	wrdreg s3  }
0xad: {  	[dreg:$0x4] =	wrdreg $0xC0  }
0xae: {  	_ =	task [dreg:s5], $0x5FFFF  }
0xaf: {  	[dreg:$0x1] =	wrdreg $0xFFFFFFFF  }
0xb0: {  	[dreg:$0x0] =	wrdreg $0x60  }
0xb1: {  	[dreg:$0x2] =	wrdreg s22  }
0xb2: {  	[dreg:$0x3] =	wrdreg s14  }
0xb3: {  	[dreg:$0x4] =	wrdreg $0x9  }
0xb4: {  	_ =	task.clear_ibuf [dreg:s5], $0x5FFFF;
	_ =	strace $0x90000046  }
0xb5: {  	s26 =	simm.s32 $0x9;
	_ =	strace $0x80000048  }
0xb6: {  	_ =	swait.ge [sflag:s26], $0x1  }
0xb7: {  	[sflag:s26] =	ssyncadd.s32 $0xFFFFFFFF  }
0xb8: {  	_ =	strace $0x90000048  }
0xb9: {  	_ =	sfence  }
0xba: {  	s28 =	sld [smem:$0x0];
	_ =	sdelay $0x1  }
0xbb: {  	s29 =	srdreg.scid  }
0xbc: {  	s30 =	sshll.u32 s29, $0xD;
	s31 =	sshrl.u32 s29, $0x2  }
0xbd: {  	s2 =	sand.u32 $0x4000, s30;
	s1 =	sand.u32 $0x1, s29;
	s0 =	sadd.s32 s31, s28  }
0xbe: {  	s1 =	sor.u32 s2, s1;
	s0 =	sshll.u32 s0, $0x11  }
0xbf: {  	s0 =	sor.u32 s0, s1  }
0xc0: {  	s0 =	sadd.s32 $0x8F2B, s0  }
0xc1: {  	[sflag:s0] =	ssyncadd.remote.s32 $0x1  }
0xc2: {  	_ =	sfence.sel $0xFFFF  }
0xc3: {  	[dreg:$0x0] =	wrdreg $0xFFFFFFFF;
	(pc) =	sbr.abs _section_cstart, $3  }
0xc4: {  	[dreg:$0x1] =	wrdreg $0xFFFFFFFF  }
0xc5: {  	_ =	task.clear_ibuf [dreg:s5], $0x2FFFF;
	_ =	strace $0x9FFFFFFF  }
0xc6: {  	(tm) =	ssettm $0x7FFFFFFF  }
0xc7: {  	_ =	shalt  }
tec
execute0_lowered:
.L_overlay_start_1:
0x0: {  	(tag) =	ssettag $0x1  }
0x1: {  	s5 =	rddreg [dreg:$0x0]  }
0x2: {  	s6 =	rddreg [dreg:$0x1]  }
0x3: {  	s0 =	rddreg [dreg:$0x2];
	_ =	strace $0x80000047;
	s7 =	stileid.u32  }
0x4: {  	s3 =	simm.s32 $0x3E;
	s1 =	sadd.s32 $0x400, s5;
	p0 =	sne.s32 s7, $0x0  }
0x5: {  	[sflag:s3] =	ssyncpa.u1 $0x0;
	s4 =	simm.s32 @!p0 $0x1C3E;
	s2 =	simm.s32 @!p0 $0x0  }
0x6: {  	[spmem:s2], [sflag:s4] =	dma.local @!p0 [hbm:s1], $0x10  }
0x7: {  	s4 =	simm.s32 @!p0 $0x3E  }
0x8: {  	_ =	swait.ge @!p0 [sflag:s4], $0x10  }
0x9: {  	[sflag:s4] =	ssyncset.done @!p0 $0x0  }
0xa: {  	[sflag:s4] =	ssyncadd.s32 @!p0 $0xFFFFFFF0  }
0xb: {  	s9 =	simm.s32 $0x108;
	s8 =	sadd.s32 $0x200, s5;
	[bflag:$0x0] =	sbarrier.arrive $0xFFFF  }
0xc: {  	s7 =	sshll.u32 s7, $0x5;
	[sflag:s3] =	ssyncpa.u1 $0x1;
	s3 =	simm.s32 $0x1  }
0xd: {  	s5 =	simm.s32 $0x0;
	s4 =	simm.s32 $0x2;
	[sflag:s3] =	ssyncpa.u1 $0x0  }
0xe: {  	s6 =	sadd.s32 s6, s7;
	(ifvalue) =	ssetifvalue $0x80;
	[sflag:s4] =	ssyncpa.u1 $0x0  }
0xf: {  	[tilespmem:s9], [sflag:$0x2] =	stream.linear.gather [hbm4b:s6+s5], $0x100, $0x38;
	[tilespmem:$0x408] =	vst v63  }
0x10: {  	s23 =	simm.s32 $0x308;
	s22 =	sadd.s32 s8, s7  }
0x11: {  	[tilespmem:s23], [sflag:$0x2] =	stream.linear.gather [hbm4b:s22+s5], $0x100, $0x38;
	[tilespmem:$0x408] =	vst v63  }
0x12: {  	_ =	swait.ge [sflag:s4], $0x200  }
0x13: {  	[sflag:s4] =	ssyncset.done $0x0  }
0x14: {  	[sflag:s4] =	ssyncadd.s32 $0xFFFFFE00  }
0x15: {  	v0 =	vld.msk [tilespmem:s9+$0x0 ss:$0x1], $0xffff;
	_ =	sdelay $0x4  }
0x16: {  	v0 =	vmin.u32 v0, $0x80;
	_ =	sdelay $0x3  }
0x17: {  	vm0 =	vmmov $0xffff;
	s24 =	simm.s32 $0x118  }
0x18: {  	[spmem:s5] =	stream.indirect_vreg.scatter.add.s32 [tilespmem:s23], [sflag:$0x1], $0x1, v0, vm0, $0x4038;
	[tilespmem:$0x408] =	vst v63  }
0x19: {  	v0 =	vld.msk [tilespmem:s24+$0x0 ss:$0x1], $0xffff;
	_ =	sdelay $0x4  }
0x1a: {  	v0 =	vmin.u32 v0, $0x80;
	_ =	sdelay $0x3  }
0x1b: {  	s25 =	simm.s32 $0x318;
	s26 =	simm.s32 $0x128  }
0x1c: {  	[spmem:s5] =	stream.indirect_vreg.scatter.add.s32 [tilespmem:s25], [sflag:$0x1], $0x1, v0, vm0, $0x4038;
	[tilespmem:$0x408] =	vst v63  }
0x1d: {  	v0 =	vld.msk [tilespmem:s26+$0x0 ss:$0x1], $0xffff;
	_ =	sdelay $0x4  }
0x1e: {  	v0 =	vmin.u32 v0, $0x80;
	_ =	sdelay $0x3  }
0x1f: {  	s28 =	simm.s32 $0x328;
	s29 =	simm.s32 $0x138  }
0x20: {  	[spmem:s5] =	stream.indirect_vreg.scatter.add.s32 [tilespmem:s28], [sflag:$0x1], $0x1, v0, vm0, $0x4038;
	[tilespmem:$0x408] =	vst v63  }
0x21: {  	v0 =	vld.msk [tilespmem:s29+$0x0 ss:$0x1], $0xffff;
	_ =	sdelay $0x4  }
0x22: {  	v0 =	vmin.u32 v0, $0x80;
	_ =	sdelay $0x3  }
0x23: {  	s30 =	simm.s32 $0x338;
	s31 =	simm.s32 $0x148  }
0x24: {  	[spmem:s5] =	stream.indirect_vreg.scatter.add.s32 [tilespmem:s30], [sflag:$0x1], $0x1, v0, vm0, $0x4038;
	[tilespmem:$0x408] =	vst v63  }
0x25: {  	v0 =	vld.msk [tilespmem:s31+$0x0 ss:$0x1], $0xffff;
	_ =	sdelay $0x4  }
0x26: {  	v0 =	vmin.u32 v0, $0x80;
	_ =	sdelay $0x3  }
0x27: {  	s7 =	simm.s32 $0x348;
	s8 =	simm.s32 $0x158  }
0x28: {  	[spmem:s5] =	stream.indirect_vreg.scatter.add.s32 [tilespmem:s7], [sflag:$0x1], $0x1, v0, vm0, $0x4038;
	[tilespmem:$0x408] =	vst v63  }
0x29: {  	v0 =	vld.msk [tilespmem:s8+$0x0 ss:$0x1], $0xffff;
	_ =	sdelay $0x4  }
0x2a: {  	v0 =	vmin.u32 v0, $0x80;
	_ =	sdelay $0x3  }
0x2b: {  	s10 =	simm.s32 $0x168;
	s9 =	simm.s32 $0x358  }
0x2c: {  	[spmem:s5] =	stream.indirect_vreg.scatter.add.s32 [tilespmem:s9], [sflag:$0x1], $0x1, v0, vm0, $0x4038;
	[tilespmem:$0x408] =	vst v63  }
0x2d: {  	v0 =	vld.msk [tilespmem:s10+$0x0 ss:$0x1], $0xffff;
	_ =	sdelay $0x4  }
0x2e: {  	v0 =	vmin.u32 v0, $0x80;
	_ =	sdelay $0x3  }
0x2f: {  	s11 =	simm.s32 $0x368;
	s12 =	simm.s32 $0x178  }
0x30: {  	[spmem:s5] =	stream.indirect_vreg.scatter.add.s32 [tilespmem:s11], [sflag:$0x1], $0x1, v0, vm0, $0x4038;
	[tilespmem:$0x408] =	vst v63  }
0x31: {  	v0 =	vld.msk [tilespmem:s12+$0x0 ss:$0x1], $0xffff;
	_ =	sdelay $0x4  }
0x32: {  	v0 =	vmin.u32 v0, $0x80;
	_ =	sdelay $0x3  }
0x33: {  	s13 =	simm.s32 $0x378;
	s14 =	simm.s32 $0x188  }
0x34: {  	[spmem:s5] =	stream.indirect_vreg.scatter.add.s32 [tilespmem:s13], [sflag:$0x1], $0x1, v0, vm0, $0x4038;
	[tilespmem:$0x408] =	vst v63  }
0x35: {  	v0 =	vld.msk [tilespmem:s14+$0x0 ss:$0x1], $0xffff;
	_ =	sdelay $0x4  }
0x36: {  	v0 =	vmin.u32 v0, $0x80;
	_ =	sdelay $0x3  }
0x37: {  	s15 =	simm.s32 $0x388;
	s16 =	simm.s32 $0x198  }
0x38: {  	[spmem:s5] =	stream.indirect_vreg.scatter.add.s32 [tilespmem:s15], [sflag:$0x1], $0x1, v0, vm0, $0x4038;
	[tilespmem:$0x408] =	vst v63  }
0x39: {  	v0 =	vld.msk [tilespmem:s16+$0x0 ss:$0x1], $0xffff;
	_ =	sdelay $0x4  }
0x3a: {  	v0 =	vmin.u32 v0, $0x80;
	_ =	sdelay $0x3  }
0x3b: {  	s17 =	simm.s32 $0x398;
	s18 =	simm.s32 $0x1A8  }
0x3c: {  	[spmem:s5] =	stream.indirect_vreg.scatter.add.s32 [tilespmem:s17], [sflag:$0x1], $0x1, v0, vm0, $0x4038;
	[tilespmem:$0x408] =	vst v63  }
0x3d: {  	v0 =	vld.msk [tilespmem:s18+$0x0 ss:$0x1], $0xffff;
	_ =	sdelay $0x4  }
0x3e: {  	v0 =	vmin.u32 v0, $0x80;
	_ =	sdelay $0x3  }
0x3f: {  	s19 =	simm.s32 $0x3A8;
	s20 =	simm.s32 $0x1B8  }
0x40: {  	[spmem:s5] =	stream.indirect_vreg.scatter.add.s32 [tilespmem:s19], [sflag:$0x1], $0x1, v0, vm0, $0x4038;
	[tilespmem:$0x408] =	vst v63  }
0x41: {  	v0 =	vld.msk [tilespmem:s20+$0x0 ss:$0x1], $0xffff;
	_ =	sdelay $0x4  }
0x42: {  	v0 =	vmin.u32 v0, $0x80;
	_ =	sdelay $0x3  }
0x43: {  	s21 =	simm.s32 $0x3B8;
	s22 =	simm.s32 $0x1C8  }
0x44: {  	[spmem:s5] =	stream.indirect_vreg.scatter.add.s32 [tilespmem:s21], [sflag:$0x1], $0x1, v0, vm0, $0x4038;
	[tilespmem:$0x408] =	vst v63  }
0x45: {  	v0 =	vld.msk [tilespmem:s22+$0x0 ss:$0x1], $0xffff;
	_ =	sdelay $0x4  }
0x46: {  	v0 =	vmin.u32 v0, $0x80;
	_ =	sdelay $0x3  }
0x47: {  	s23 =	simm.s32 $0x3C8;
	s24 =	simm.s32 $0x1D8  }
0x48: {  	[spmem:s5] =	stream.indirect_vreg.scatter.add.s32 [tilespmem:s23], [sflag:$0x1], $0x1, v0, vm0, $0x4038;
	[tilespmem:$0x408] =	vst v63  }
0x49: {  	v0 =	vld.msk [tilespmem:s24+$0x0 ss:$0x1], $0xffff;
	_ =	sdelay $0x4  }
0x4a: {  	v0 =	vmin.u32 v0, $0x80;
	_ =	sdelay $0x3  }
0x4b: {  	s25 =	simm.s32 $0x3D8;
	s26 =	simm.s32 $0x1E8  }
0x4c: {  	[spmem:s5] =	stream.indirect_vreg.scatter.add.s32 [tilespmem:s25], [sflag:$0x1], $0x1, v0, vm0, $0x4038;
	[tilespmem:$0x408] =	vst v63  }
0x4d: {  	v0 =	vld.msk [tilespmem:s26+$0x0 ss:$0x1], $0xffff;
	_ =	sdelay $0x4  }
0x4e: {  	v0 =	vmin.u32 v0, $0x80;
	_ =	sdelay $0x3  }
0x4f: {  	s28 =	simm.s32 $0x3E8;
	s29 =	simm.s32 $0x1F8  }
0x50: {  	[spmem:s5] =	stream.indirect_vreg.scatter.add.s32 [tilespmem:s28], [sflag:$0x1], $0x1, v0, vm0, $0x4038;
	[tilespmem:$0x408] =	vst v63  }
0x51: {  	v0 =	vld.msk [tilespmem:s29+$0x0 ss:$0x1], $0xffff;
	_ =	sdelay $0x4  }
0x52: {  	v0 =	vmin.u32 v0, $0x80;
	_ =	sdelay $0x3  }
0x53: {  	s30 =	simm.s32 $0x3F8  }
0x54: {  	[spmem:s5] =	stream.indirect_vreg.scatter.add.s32 [tilespmem:s30], [sflag:$0x1], $0x1, v0, vm0, $0x4038;
	[tilespmem:$0x408] =	vst v63  }
0x55: {  	_ =	swait.ge [sflag:s3], $0x100  }
0x56: {  	[sflag:s3] =	ssyncset.done $0x0  }
0x57: {  	[sflag:s3] =	ssyncadd.s32 $0xFFFFFF00  }
0x58: {  	_ =	sfence.sel $0x180000  }
0x59: {  	[bflag:$0x0] =	sbarrier.arrive $0xFFFF  }
0x5a: {  	[sflag:s4] =	ssyncpa.u1 $0x1  }
0x5b: {  	[sflag:s3] =	ssyncpa.u1 $0x1  }
0x5c: {  	_ =	sfence.stream.spmem  }
0x5d: {  	s31 =	simm.s32 $0x3D;
	[bflag:$0x0] =	sbarrier.arrive $0xFFFF  }
0x5e: {  	s3 =	simm.s32 @p0 $0x3D;
	[sflag:s31] =	ssyncpa.u1 $0x0  }
0x5f: {  	[sflag:s3] =	ssyncpa.u1 @p0 $0x1  }
0x60: {  	[bflag:$0x0] =	sbarrier.arrive @p0 $0xFFFF  }
0x61: {  	_ =	strace @p0 $0x90000047  }
0x62: {  	s3 =	simm.s32 @!p0 $0x1C3D;
	[bflag:$0x2] =	sbarrier.arrive @p0 $0xFFFF  }
0x63: {  	[hbm:s1], [sflag:s3] =	dma.local @!p0 [spmem:s2], $0x10  }
0x64: {  	s1 =	simm.s32 @!p0 $0x3D  }
0x65: {  	_ =	swait.ge @!p0 [sflag:s1], $0x10  }
0x66: {  	[sflag:s1] =	ssyncset.done @!p0 $0x0  }
0x67: {  	[sflag:s1] =	ssyncadd.s32 @!p0 $0xFFFFFFF0  }
0x68: {  	[sflag:s1] =	ssyncpa.u1 @!p0 $0x1  }
0x69: {  	[bflag:$0x0] =	sbarrier.arrive @!p0 $0xFFFF  }
0x6a: {  	_ =	strace @!p0 $0x90000047  }
0x6b: {  	s0 =	sadd.s32 @!p0 $0x100000, s0;
	[bflag:$0x2] =	sbarrier.arrive @!p0 $0xFFFF  }
0x6c: {  	[sflag:s0] =	ssyncadd.tile.s32 @!p0 $0x1;
	_ =	shalt  }
.Lfunc_end2:
_tile_overlayer_lowered:
.L_overlay_start_2:
0x6d: {  	(tag) =	ssettag $0x2  }
0x6e: {  	s0 =	rddreg [dreg:$0x0];
	s2 =	stileid.u32  }
0x6f: {  	s1 =	rddreg [dreg:$0x1];
	p0 =	sne.s32 s2, $0x0  }
0x70: {  	s3 =	rddreg [dreg:$0x2];
	[bflag:$0x3] =	sbarrier.arrive $0xFFFF;
	s2 =	simm.s32 @!p0 $0x1C01  }
0x71: {  	[timem:s3], [sflag:s2] =	dma.local @!p0 [hbm:s0], s1  }
0x72: {  	s0 =	simm.s32 @!p0 $0x1  }
0x73: {  	_ =	swait.ge @!p0 [sflag:s0], s1  }
0x74: {  	s1 =	ssub.s32 @!p0 $0x0, s1;
	[sflag:s0] =	ssyncset.done @!p0 $0x0  }
0x75: {  	[sflag:s0] =	ssyncadd.s32 @!p0 s1  }
0x76: {  	[bflag:$0x3] =	sbarrier.arrive $0xFFFF  }
0x77: {  	_ =	shalt  }

</sc_bundles>
